<compile_context>
chip_gen: v7x
topology: tpu7x:2x2x1
jax: 0.10.2.dev20260603
libtpu: 0.0.44.dev20260713+nightly
codegen_flags: <defaults>
</compile_context>

<pallas_src>
import functools

import jax
import jax.numpy as jnp
from jax import lax
from jax.experimental import pallas as pl
from jax.experimental.pallas import tpu as pltpu
from jax.experimental.pallas import tpu_sc as plsc

_B = 128
_C = 384
_S = 196
_D1 = 1024
_THRES = 0.3
_EPS = 1e-6
_BB = 8
_NCHUNK = 13


def _sc_body(f1_hbm, out_hbm, xbuf, row, sem):
    del sem
    ncores = 2
    wid = lax.axis_index("s") * ncores + lax.axis_index("c")
    lanes = lax.iota(jnp.int32, 16)
    tail_mask = lanes >= 12

    zero16 = jnp.zeros((16,), jnp.float32)
    for t in range(13, 16):
        row[pl.ds(16 * t, 16)] = zero16

    for kk in range(_B // 32):
        b = wid * (_B // 32) + kk
        pltpu.sync_copy(f1_hbm.at[b], xbuf)

        def cbody(c, accs):
            new = []
            for g in range(12):
                v = xbuf[c, pl.ds(16 * g, 16)]
                new.append(accs[g] + v * v)
            v = xbuf[c, pl.ds(180, 16)]
            new.append(accs[12] + jnp.where(tail_mask, v * v, 0.0))
            return tuple(new)

        accs = lax.fori_loop(0, _C, cbody,
                             tuple(zero16 for _ in range(_NCHUNK)))
        for g in range(_NCHUNK):
            row[pl.ds(16 * g, 16)] = accs[g]
        pltpu.sync_copy(row, out_hbm.at[b])


def _sc_m1_map(f1):
    mesh = plsc.VectorSubcoreMesh(core_axis_name="c", subcore_axis_name="s")
    return pl.kernel(
        _sc_body,
        out_type=jax.ShapeDtypeStruct((_B, 256), jnp.float32),
        mesh=mesh,
        scratch_types=[
            pltpu.VMEM((_C, _S), jnp.float32),
            pltpu.VMEM((256,), jnp.float32),
            pltpu.SemaphoreType.DMA,
        ],
        compiler_params=pltpu.CompilerParams(needs_layout_passes=False),
    )(f1)


def _m2_body(x_ref, m_ref):
    x = x_ref[...]
    m_ref[...] = jnp.sum(x * x, axis=1) * (1.0 / _C)


def _m2_map(f2):
    return pl.pallas_call(
        _m2_body,
        grid=(_B // _BB,),
        in_specs=[pl.BlockSpec((_BB, _C, _S), lambda i: (i, 0, 0))],
        out_specs=pl.BlockSpec((_BB, _S), lambda i: (i, 0)),
        out_shape=jax.ShapeDtypeStruct((_B, _S), jnp.float32),
    )(f2)


def _fin_body(m1_ref, m2_ref, a_ref, b_ref, q1c_ref, q2c_ref, w_ref,
              loss_ref, wl_ref):
    q1c = q1c_ref[...]
    q2c = q2c_ref[...]
    qm = jnp.abs(q1c - q2c)
    mean_q = jnp.sum(qm) * (1.0 / _B)
    margin_upper = 100.0 - (100.0 - mean_q) * _THRES
    margin_lower = mean_q * _THRES
    maskq = (qm < margin_lower) | (qm > margin_upper)
    q1z = jnp.where(maskq, 0.0, q1c)
    q2z = jnp.where(maskq, 0.0, q2c)
    f1h = q1z > q2z
    act = q1z != q2z
    count = jnp.sum(act.astype(jnp.float32))
    sum_q1 = jnp.sum(q1z)

    m1raw = m1_ref[...]
    m1 = jnp.concatenate([m1raw[:, 0:192], m1raw[:, 204:208]],
                         axis=1) * (1.0 / _C)
    m2 = m2_ref[...]
    d = m1 - m2
    mse_b = jnp.sum(d * d, axis=1, keepdims=True)
    mx1 = jnp.max(m1, axis=1, keepdims=True)
    mn1 = jnp.min(m1, axis=1, keepdims=True)
    mx2 = jnp.max(m2, axis=1, keepdims=True)
    mn2 = jnp.min(m2, axis=1, keepdims=True)
    fs_mx = jnp.where(f1h, mx2, mx1)
    fs_mn = jnp.where(f1h, mn2, mn1)
    mse_sum = jnp.sum(jnp.where(act, mse_b, 0.0))
    fs_max = jnp.max(jnp.where(act, fs_mx, -jnp.inf))
    fs_min = jnp.min(jnp.where(act, fs_mn, jnp.inf))

    a = a_ref[...]
    b = b_ref[...]
    dot = jnp.sum(a * b, axis=1, keepdims=True)
    na = jnp.sqrt(jnp.sum(a * a, axis=1, keepdims=True))
    nb = jnp.sqrt(jnp.sum(b * b, axis=1, keepdims=True))
    denom = jnp.maximum(na, _EPS) * jnp.maximum(nb, _EPS)
    cd = 1.0 - dot / denom
    cos_sum = jnp.sum(jnp.where(act, cd, 0.0))

    mse_loss = mse_sum / (count * jnp.float32(_S))
    ampify = 2.0 / (fs_max - fs_min)
    loss0 = ampify * mse_loss
    loss1 = cos_sum / count

    w0 = w_ref[0]
    w1 = w_ref[1]
    wl0 = loss0 * w0
    wl1 = loss1 * w1
    loss_all = wl0 + wl1

    zero_case = sum_q1 == 0.0
    loss_all = jnp.where(zero_case, 0.0, loss_all)
    wl0 = jnp.where(zero_case, 0.0, wl0)
    wl1 = jnp.where(zero_case, 0.0, wl1)

    loss_ref[...] = jnp.full((1, 1), loss_all)
    wl_ref[...] = jnp.concatenate(
        [jnp.full((1, 1), wl0), jnp.full((1, 1), wl1)], axis=1)


def _finalize(m1map, m2map, f1l1, f2l1, q1c, q2c, w):
    out = pl.pallas_call(
        _fin_body,
        in_specs=[
            pl.BlockSpec((_B, 256), lambda: (0, 0)),
            pl.BlockSpec((_B, _S), lambda: (0, 0)),
            pl.BlockSpec((_B, _D1), lambda: (0, 0)),
            pl.BlockSpec((_B, _D1), lambda: (0, 0)),
            pl.BlockSpec((_B, 1), lambda: (0, 0)),
            pl.BlockSpec((_B, 1), lambda: (0, 0)),
            pl.BlockSpec(memory_space=pltpu.SMEM),
        ],
        out_specs=[
            pl.BlockSpec((1, 1), lambda: (0, 0)),
            pl.BlockSpec((1, 2), lambda: (0, 0)),
        ],
        out_shape=[
            jax.ShapeDtypeStruct((1, 1), jnp.float32),
            jax.ShapeDtypeStruct((1, 2), jnp.float32),
        ],
    )(m1map, m2map, f1l1, f2l1, q1c, q2c, w)
    return out[0].reshape(()), out[1].reshape(2)


@jax.jit
def _qsd_loss(f1l0, f1l1, f2l0, f2l1, q1, q2, w):
    f2 = f2l0.reshape(_B, _C, _S)
    m2map = _m2_map(f2)
    f1 = f1l0.reshape(_B, _C, _S)
    m1map = _sc_m1_map(f1)
    return _finalize(m1map, m2map, f1l1, f2l1,
                     q1.reshape(_B, 1), q2.reshape(_B, 1), w)


def kernel(features_1_level0, features_1_level1, features_2_level0,
           features_2_level1, quality_1, quality_2, weights):
    return _qsd_loss(features_1_level0, features_1_level1,
                     features_2_level0, features_2_level1,
                     quality_1, quality_2, weights)

# --- scband reference (transcript-rebuilt; emitter-appended) ---
"""Pipeline reference for scband-qsd-loss-26517128085763 (READ-ONLY COPY).

The authoritative reference and input builder live on the scoring server;
editing this copy changes nothing except your own understanding.
"""

import jax, jax.numpy as jnp
import numpy as np


def _cos_sim(a, b, eps=1e-06):
    na = jnp.sqrt(jnp.sum(a * a, axis=-1))
    nb = jnp.sqrt(jnp.sum(b * b, axis=-1))
    denom = jnp.maximum(na, eps) * jnp.maximum(nb, eps)
    return jnp.sum(a * b, axis=-1) / denom


def setup_inputs(seed: int = 0) -> dict:
    key = jax.random.key(seed)
    ks = jax.random.split(key, 7)
    B = 128
    features_1_level0 = jax.random.normal(ks[0], (B, 384, 14, 14), dtype=jnp.float32)
    features_1_level1 = jax.random.normal(ks[1], (B, 1024), dtype=jnp.float32)
    features_2_level0 = jax.random.normal(ks[2], (B, 384, 14, 14), dtype=jnp.float32)
    features_2_level1 = jax.random.normal(ks[3], (B, 1024), dtype=jnp.float32)
    quality_1 = jax.random.uniform(ks[4], (B,), dtype=jnp.float32) * 100.0
    quality_2 = jax.random.uniform(ks[5], (B,), dtype=jnp.float32) * 100.0
    weights = jax.random.uniform(ks[6], (2,), dtype=jnp.float32)
    return {
        'features_1_level0': features_1_level0,
        'features_1_level1': features_1_level1,
        'features_2_level0': features_2_level0,
        'features_2_level1': features_2_level1,
        'quality_1': quality_1,
        'quality_2': quality_2,
        'weights': weights,
    }


def reference(features_1_level0, features_1_level1, features_2_level0,
              features_2_level1, quality_1, quality_2, weights):
    thres = 0.3
    q1 = quality_1
    q2 = quality_2
    quality_mask = jnp.abs(q1 - q2)
    mean_quality_dis = jnp.mean(quality_mask)
    margin_upper = 100 - (100 - mean_quality_dis) * thres
    margin_lower = mean_quality_dis * thres
    mask = (quality_mask < margin_lower) | (quality_mask > margin_upper)
    q1 = jnp.where(mask, 0.0, q1)
    q2 = jnp.where(mask, 0.0, q2)
    fea1_high = q1 > q2
    fea2_high = q1 < q2
    active = fea1_high | fea2_high
    count = jnp.sum(active).astype(jnp.float32)
    features_1 = [features_1_level0, features_1_level1]
    features_2 = [features_2_level0, features_2_level1]
    losses = []
    for fea_1, fea_2 in zip(features_1, features_2):
        sel = fea1_high.reshape((-1,) + (1,) * (fea_1.ndim - 1))
        fea_t = jnp.where(sel, fea_1, fea_2)
        fea_s = jnp.where(sel, fea_2, fea_1)
        fea_t_detached = jax.lax.stop_gradient(fea_t)
        if fea_t_detached.ndim == 2:
            cos_dis = 1.0 - _cos_sim(fea_t_detached, fea_s)
            losses.append(jnp.sum(jnp.where(active, cos_dis, 0.0)) / count)
        else:
            fs = jnp.mean(jnp.power(fea_s, 2), axis=1)
            ft = jnp.mean(jnp.power(fea_t_detached, 2), axis=1)
            act3 = active.reshape((-1, 1, 1))
            sq = jnp.where(act3, (fs - ft) ** 2, 0.0)
            mse_loss = jnp.sum(sq) / (count * fs.shape[1] * fs.shape[2])
            fs_max = jnp.max(jnp.where(act3, fs, -jnp.inf))
            fs_min = jnp.min(jnp.where(act3, fs, jnp.inf))
            ampify = 2.0 / (fs_max - fs_min)
            losses.append(ampify * mse_loss)
    loss_all = jnp.asarray(0.0, jnp.float32)
    weighted_losses = []
    for i in range(len(losses)):
        loss_all = loss_all + losses[i] * weights[i]
        weighted_losses.append(losses[i] * weights[i])
    weighted = jnp.stack(weighted_losses)
    zero_case = jnp.sum(q1) == 0.0
    loss_all = jnp.where(zero_case, jnp.asarray(0.0, jnp.float32), loss_all)
    weighted = jnp.where(zero_case, jnp.zeros_like(weighted), weighted)
    return (loss_all, weighted)

if __name__ == "__main__":
    import jax
    _d = setup_inputs()
    print(jax.jit(kernel)(*tuple(_d.values())))

</pallas_src>

<mosaic_0001>
#map = affine_map<(d0, d1) -> (0, 0, 0)>
#map1 = affine_map<(d0, d1) -> (0, 0)>
module attributes {stable_mosaic.version = 14 : i64} {
  func.func @_sc_body(%arg0: i32, %arg1: i32, %arg2: memref<128x384x196xf32, #tpu.memory_space<hbm>>, %arg3: memref<128x256xf32, #tpu.memory_space<hbm>>, %arg4: memref<384x196xf32, #tpu.memory_space<vmem>>, %arg5: memref<256xf32, #tpu.memory_space<vmem>>, %arg6: memref<!tpu.dma_semaphore, #tpu.memory_space<semaphore_mem>>) attributes {dimension_semantics = [#tpu.dimension_semantics<core_parallel>, #tpu.dimension_semantics<subcore_parallel>], iteration_bounds = array<i64: 2, 16>, scalar_prefetch = 0 : i64, scratch_operands = 3 : i64, tpu.core_type = #tpu.core_type<sc_vector_subcore>, window_params = [{transform_indices = #map}, {transform_indices = #map1}]} {
    %mul3A = arith.constant 2 : i32
    %mul3A_0 = arith.muli %arg1, %mul3A : i32
    %add3A = arith.addi %mul3A_0, %arg0 : i32
    %iota3A = tpu.iota {dimensions = array<i32: 0>} : vector<16xi32>
    %ge3A = arith.constant 12 : i32
    %ge3A_1 = vector.broadcast %ge3A : i32 to vector<16xi32>
    %ge3A_2 = arith.cmpi sge, %iota3A, %ge3A_1 : vector<16xi32>
    %broadcast_in_dim3A = arith.constant 0.000000e+00 : f32
    %broadcast_in_dim3A_3 = vector.broadcast %broadcast_in_dim3A : f32 to vector<16xf32>
    %swap3A = arith.constant 208 : index
    %swap3A_4 = tpu.vector_load %arg5[%swap3A] {strides = array<i32>} : memref<256xf32, #tpu.memory_space<vmem>>, vector<16xf32>,
    tpu.vector_store %arg5[%swap3A], %broadcast_in_dim3A_3 {strides = array<i32>} : memref<256xf32, #tpu.memory_space<vmem>>, vector<16xf32>,
    %swap3A_5 = arith.constant 224 : index
    %swap3A_6 = tpu.vector_load %arg5[%swap3A_5] {strides = array<i32>} : memref<256xf32, #tpu.memory_space<vmem>>, vector<16xf32>,
    tpu.vector_store %arg5[%swap3A_5], %broadcast_in_dim3A_3 {strides = array<i32>} : memref<256xf32, #tpu.memory_space<vmem>>, vector<16xf32>,
    %swap3A_7 = arith.constant 240 : index
    %swap3A_8 = tpu.vector_load %arg5[%swap3A_7] {strides = array<i32>} : memref<256xf32, #tpu.memory_space<vmem>>, vector<16xf32>,
    tpu.vector_store %arg5[%swap3A_7], %broadcast_in_dim3A_3 {strides = array<i32>} : memref<256xf32, #tpu.memory_space<vmem>>, vector<16xf32>,
    %mul3A_9 = arith.constant 4 : i32
    %mul3A_10 = arith.muli %add3A, %mul3A_9 : i32
    %add3A_11 = arith.constant 0 : i32
    %add3A_12 = arith.addi %mul3A_10, %add3A_11 : i32
    "tpu.region"() ({
      %run_scoped3A = tpu.sem_alloc : memref<!tpu.dma_semaphore, #tpu.memory_space<semaphore_mem>>
      %dma_start3A = arith.constant 0 : i32
      %dma_start3A_152 = arith.constant 0 : i32
      %dma_start3A_153 = tpu.memref_slice %arg2[%add3A_12, %dma_start3A, %dma_start3A_152] : memref<128x384x196xf32, #tpu.memory_space<hbm>> -> memref<1x384x196xf32, #tpu.memory_space<hbm>>
      %dma_start3A_154 = tpu.memref_squeeze %dma_start3A_153 : memref<1x384x196xf32, #tpu.memory_space<hbm>> -> memref<384x196xf32, #tpu.memory_space<hbm>>
      %dma_start3A_155 = arith.constant 0 : i32
      %dma_start3A_156 = arith.constant 0 : i32
      %dma_start3A_157 = tpu.memref_slice %arg2[%add3A_12, %dma_start3A_155, %dma_start3A_156] : memref<128x384x196xf32, #tpu.memory_space<hbm>> -> memref<1x384x196xf32, #tpu.memory_space<hbm>>
      %dma_start3A_158 = tpu.memref_squeeze %dma_start3A_157 : memref<1x384x196xf32, #tpu.memory_space<hbm>> -> memref<384x196xf32, #tpu.memory_space<hbm>>
      tpu.enqueue_dma source(%dma_start3A_158 : memref<384x196xf32, #tpu.memory_space<hbm>>) target(%arg4 : memref<384x196xf32, #tpu.memory_space<vmem>>) target_semaphore(%run_scoped3A : memref<!tpu.dma_semaphore, #tpu.memory_space<semaphore_mem>>)
      %dma_wait3A = arith.constant 0 : i32
      %dma_wait3A_159 = arith.constant 0 : i32
      %dma_wait3A_160 = tpu.memref_slice %arg2[%add3A_12, %dma_wait3A, %dma_wait3A_159] : memref<128x384x196xf32, #tpu.memory_space<hbm>> -> memref<1x384x196xf32, #tpu.memory_space<hbm>>
      %dma_wait3A_161 = tpu.memref_squeeze %dma_wait3A_160 : memref<1x384x196xf32, #tpu.memory_space<hbm>> -> memref<384x196xf32, #tpu.memory_space<hbm>>
      %dma_wait3A_162 = arith.constant 0 : i32
      %dma_wait3A_163 = arith.constant 0 : i32
      %dma_wait3A_164 = tpu.memref_slice %arg2[%add3A_12, %dma_wait3A_162, %dma_wait3A_163] : memref<128x384x196xf32, #tpu.memory_space<hbm>> -> memref<1x384x196xf32, #tpu.memory_space<hbm>>
      %dma_wait3A_165 = tpu.memref_squeeze %dma_wait3A_164 : memref<1x384x196xf32, #tpu.memory_space<hbm>> -> memref<384x196xf32, #tpu.memory_space<hbm>>
      tpu.wait_dma2 semaphore(%run_scoped3A : memref<!tpu.dma_semaphore, #tpu.memory_space<semaphore_mem>>) src(%dma_wait3A_165 : memref<384x196xf32, #tpu.memory_space<hbm>>) dst(%arg4 : memref<384x196xf32, #tpu.memory_space<vmem>>)
      tpu.yield
    }) : () -> ()
    %scan3A = arith.constant 0 : i32
    %scan3A_13 = arith.constant 384 : i32
    %scan3A_14 = arith.addi %scan3A, %scan3A_13 : i32
    %scan3A_15 = arith.constant 1 : i32
    %scan3A_16:13 = scf.for %scan3A_152 = %scan3A to %scan3A_14 step %scan3A_15 iter_args(%scan3A_153 = %broadcast_in_dim3A_3, %scan3A_154 = %broadcast_in_dim3A_3, %scan3A_155 = %broadcast_in_dim3A_3, %scan3A_156 = %broadcast_in_dim3A_3, %scan3A_157 = %broadcast_in_dim3A_3, %scan3A_158 = %broadcast_in_dim3A_3, %scan3A_159 = %broadcast_in_dim3A_3, %scan3A_160 = %broadcast_in_dim3A_3, %scan3A_161 = %broadcast_in_dim3A_3, %scan3A_162 = %broadcast_in_dim3A_3, %scan3A_163 = %broadcast_in_dim3A_3, %scan3A_164 = %broadcast_in_dim3A_3, %scan3A_165 = %broadcast_in_dim3A_3) -> (vector<16xf32>, vector<16xf32>, vector<16xf32>, vector<16xf32>, vector<16xf32>, vector<16xf32>, vector<16xf32>, vector<16xf32>, vector<16xf32>, vector<16xf32>, vector<16xf32>, vector<16xf32>, vector<16xf32>)  : i32 {
      %get3A = arith.index_cast %scan3A_152 : i32 to index
      %get3A_166 = arith.constant 0 : index
      %get3A_167 = tpu.vector_load %arg4[%get3A, %get3A_166] {strides = array<i32>} : memref<384x196xf32, #tpu.memory_space<vmem>>, vector<16xf32>,
      %mul3A_168 = arith.mulf %get3A_167, %get3A_167 : vector<16xf32>
      %add3A_169 = arith.addf %scan3A_153, %mul3A_168 : vector<16xf32>
      %get3A_170 = arith.index_cast %scan3A_152 : i32 to index
      %get3A_171 = arith.constant 16 : index
      %get3A_172 = tpu.vector_load %arg4[%get3A_170, %get3A_171] {strides = array<i32>} : memref<384x196xf32, #tpu.memory_space<vmem>>, vector<16xf32>,
      %mul3A_173 = arith.mulf %get3A_172, %get3A_172 : vector<16xf32>
      %add3A_174 = arith.addf %scan3A_154, %mul3A_173 : vector<16xf32>
      %get3A_175 = arith.index_cast %scan3A_152 : i32 to index
      %get3A_176 = arith.constant 32 : index
      %get3A_177 = tpu.vector_load %arg4[%get3A_175, %get3A_176] {strides = array<i32>} : memref<384x196xf32, #tpu.memory_space<vmem>>, vector<16xf32>,
      %mul3A_178 = arith.mulf %get3A_177, %get3A_177 : vector<16xf32>
      %add3A_179 = arith.addf %scan3A_155, %mul3A_178 : vector<16xf32>
      %get3A_180 = arith.index_cast %scan3A_152 : i32 to index
      %get3A_181 = arith.constant 48 : index
      %get3A_182 = tpu.vector_load %arg4[%get3A_180, %get3A_181] {strides = array<i32>} : memref<384x196xf32, #tpu.memory_space<vmem>>, vector<16xf32>,
      %mul3A_183 = arith.mulf %get3A_182, %get3A_182 : vector<16xf32>
      %add3A_184 = arith.addf %scan3A_156, %mul3A_183 : vector<16xf32>
      %get3A_185 = arith.index_cast %scan3A_152 : i32 to index
      %get3A_186 = arith.constant 64 : index
      %get3A_187 = tpu.vector_load %arg4[%get3A_185, %get3A_186] {strides = array<i32>} : memref<384x196xf32, #tpu.memory_space<vmem>>, vector<16xf32>,
      %mul3A_188 = arith.mulf %get3A_187, %get3A_187 : vector<16xf32>
      %add3A_189 = arith.addf %scan3A_157, %mul3A_188 : vector<16xf32>
      %get3A_190 = arith.index_cast %scan3A_152 : i32 to index
      %get3A_191 = arith.constant 80 : index
      %get3A_192 = tpu.vector_load %arg4[%get3A_190, %get3A_191] {strides = array<i32>} : memref<384x196xf32, #tpu.memory_space<vmem>>, vector<16xf32>,
      %mul3A_193 = arith.mulf %get3A_192, %get3A_192 : vector<16xf32>
      %add3A_194 = arith.addf %scan3A_158, %mul3A_193 : vector<16xf32>
      %get3A_195 = arith.index_cast %scan3A_152 : i32 to index
      %get3A_196 = arith.constant 96 : index
      %get3A_197 = tpu.vector_load %arg4[%get3A_195, %get3A_196] {strides = array<i32>} : memref<384x196xf32, #tpu.memory_space<vmem>>, vector<16xf32>,
      %mul3A_198 = arith.mulf %get3A_197, %get3A_197 : vector<16xf32>
      %add3A_199 = arith.addf %scan3A_159, %mul3A_198 : vector<16xf32>
      %get3A_200 = arith.index_cast %scan3A_152 : i32 to index
      %get3A_201 = arith.constant 112 : index
      %get3A_202 = tpu.vector_load %arg4[%get3A_200, %get3A_201] {strides = array<i32>} : memref<384x196xf32, #tpu.memory_space<vmem>>, vector<16xf32>,
      %mul3A_203 = arith.mulf %get3A_202, %get3A_202 : vector<16xf32>
      %add3A_204 = arith.addf %scan3A_160, %mul3A_203 : vector<16xf32>
      %get3A_205 = arith.index_cast %scan3A_152 : i32 to index
      %get3A_206 = arith.constant 128 : index
      %get3A_207 = tpu.vector_load %arg4[%get3A_205, %get3A_206] {strides = array<i32>} : memref<384x196xf32, #tpu.memory_space<vmem>>, vector<16xf32>,
      %mul3A_208 = arith.mulf %get3A_207, %get3A_207 : vector<16xf32>
      %add3A_209 = arith.addf %scan3A_161, %mul3A_208 : vector<16xf32>
      %get3A_210 = arith.index_cast %scan3A_152 : i32 to index
      %get3A_211 = arith.constant 144 : index
      %get3A_212 = tpu.vector_load %arg4[%get3A_210, %get3A_211] {strides = array<i32>} : memref<384x196xf32, #tpu.memory_space<vmem>>, vector<16xf32>,
      %mul3A_213 = arith.mulf %get3A_212, %get3A_212 : vector<16xf32>
      %add3A_214 = arith.addf %scan3A_162, %mul3A_213 : vector<16xf32>
      %get3A_215 = arith.index_cast %scan3A_152 : i32 to index
      %get3A_216 = arith.constant 160 : index
      %get3A_217 = tpu.vector_load %arg4[%get3A_215, %get3A_216] {strides = array<i32>} : memref<384x196xf32, #tpu.memory_space<vmem>>, vector<16xf32>,
      %mul3A_218 = arith.mulf %get3A_217, %get3A_217 : vector<16xf32>
      %add3A_219 = arith.addf %scan3A_163, %mul3A_218 : vector<16xf32>
      %get3A_220 = arith.index_cast %scan3A_152 : i32 to index
      %get3A_221 = arith.constant 176 : index
      %get3A_222 = tpu.vector_load %arg4[%get3A_220, %get3A_221] {strides = array<i32>} : memref<384x196xf32, #tpu.memory_space<vmem>>, vector<16xf32>,
      %mul3A_223 = arith.mulf %get3A_222, %get3A_222 : vector<16xf32>
      %add3A_224 = arith.addf %scan3A_164, %mul3A_223 : vector<16xf32>
      %get3A_225 = arith.index_cast %scan3A_152 : i32 to index
      %get3A_226 = arith.constant 180 : index
      %get3A_227 = tpu.vector_load %arg4[%get3A_225, %get3A_226] {strides = array<i32>} : memref<384x196xf32, #tpu.memory_space<vmem>>, vector<16xf32>,
      %mul3A_228 = arith.mulf %get3A_227, %get3A_227 : vector<16xf32>
      %jit3A = arith.constant 0.000000e+00 : f32
      %broadcast_in_dim3A_229 = vector.broadcast %jit3A : f32 to vector<16xf32>
      %select_n3A = arith.select %ge3A_2, %mul3A_228, %broadcast_in_dim3A_229 : vector<16xi1>, vector<16xf32>
      %add3A_230 = arith.addf %scan3A_165, %select_n3A : vector<16xf32>
      scf.yield %add3A_169, %add3A_174, %add3A_179, %add3A_184, %add3A_189, %add3A_194, %add3A_199, %add3A_204, %add3A_209, %add3A_214, %add3A_219, %add3A_224, %add3A_230 : vector<16xf32>, vector<16xf32>, vector<16xf32>, vector<16xf32>, vector<16xf32>, vector<16xf32>, vector<16xf32>, vector<16xf32>, vector<16xf32>, vector<16xf32>, vector<16xf32>, vector<16xf32>, vector<16xf32>
    }
    %scan3A_17 = arith.constant 384 : i32
    %swap3A_18 = arith.constant 0 : index
    %swap3A_19 = tpu.vector_load %arg5[%swap3A_18] {strides = array<i32>} : memref<256xf32, #tpu.memory_space<vmem>>, vector<16xf32>,
    tpu.vector_store %arg5[%swap3A_18], %scan3A_16#0 {strides = array<i32>} : memref<256xf32, #tpu.memory_space<vmem>>, vector<16xf32>,
    %swap3A_20 = arith.constant 16 : index
    %swap3A_21 = tpu.vector_load %arg5[%swap3A_20] {strides = array<i32>} : memref<256xf32, #tpu.memory_space<vmem>>, vector<16xf32>,
    tpu.vector_store %arg5[%swap3A_20], %scan3A_16#1 {strides = array<i32>} : memref<256xf32, #tpu.memory_space<vmem>>, vector<16xf32>,
    %swap3A_22 = arith.constant 32 : index
    %swap3A_23 = tpu.vector_load %arg5[%swap3A_22] {strides = array<i32>} : memref<256xf32, #tpu.memory_space<vmem>>, vector<16xf32>,
    tpu.vector_store %arg5[%swap3A_22], %scan3A_16#2 {strides = array<i32>} : memref<256xf32, #tpu.memory_space<vmem>>, vector<16xf32>,
    %swap3A_24 = arith.constant 48 : index
    %swap3A_25 = tpu.vector_load %arg5[%swap3A_24] {strides = array<i32>} : memref<256xf32, #tpu.memory_space<vmem>>, vector<16xf32>,
    tpu.vector_store %arg5[%swap3A_24], %scan3A_16#3 {strides = array<i32>} : memref<256xf32, #tpu.memory_space<vmem>>, vector<16xf32>,
    %swap3A_26 = arith.constant 64 : index
    %swap3A_27 = tpu.vector_load %arg5[%swap3A_26] {strides = array<i32>} : memref<256xf32, #tpu.memory_space<vmem>>, vector<16xf32>,
    tpu.vector_store %arg5[%swap3A_26], %scan3A_16#4 {strides = array<i32>} : memref<256xf32, #tpu.memory_space<vmem>>, vector<16xf32>,
    %swap3A_28 = arith.constant 80 : index
    %swap3A_29 = tpu.vector_load %arg5[%swap3A_28] {strides = array<i32>} : memref<256xf32, #tpu.memory_space<vmem>>, vector<16xf32>,
    tpu.vector_store %arg5[%swap3A_28], %scan3A_16#5 {strides = array<i32>} : memref<256xf32, #tpu.memory_space<vmem>>, vector<16xf32>,
    %swap3A_30 = arith.constant 96 : index
    %swap3A_31 = tpu.vector_load %arg5[%swap3A_30] {strides = array<i32>} : memref<256xf32, #tpu.memory_space<vmem>>, vector<16xf32>,
    tpu.vector_store %arg5[%swap3A_30], %scan3A_16#6 {strides = array<i32>} : memref<256xf32, #tpu.memory_space<vmem>>, vector<16xf32>,
    %swap3A_32 = arith.constant 112 : index
    %swap3A_33 = tpu.vector_load %arg5[%swap3A_32] {strides = array<i32>} : memref<256xf32, #tpu.memory_space<vmem>>, vector<16xf32>,
    tpu.vector_store %arg5[%swap3A_32], %scan3A_16#7 {strides = array<i32>} : memref<256xf32, #tpu.memory_space<vmem>>, vector<16xf32>,
    %swap3A_34 = arith.constant 128 : index
    %swap3A_35 = tpu.vector_load %arg5[%swap3A_34] {strides = array<i32>} : memref<256xf32, #tpu.memory_space<vmem>>, vector<16xf32>,
    tpu.vector_store %arg5[%swap3A_34], %scan3A_16#8 {strides = array<i32>} : memref<256xf32, #tpu.memory_space<vmem>>, vector<16xf32>,
    %swap3A_36 = arith.constant 144 : index
    %swap3A_37 = tpu.vector_load %arg5[%swap3A_36] {strides = array<i32>} : memref<256xf32, #tpu.memory_space<vmem>>, vector<16xf32>,
    tpu.vector_store %arg5[%swap3A_36], %scan3A_16#9 {strides = array<i32>} : memref<256xf32, #tpu.memory_space<vmem>>, vector<16xf32>,
    %swap3A_38 = arith.constant 160 : index
    %swap3A_39 = tpu.vector_load %arg5[%swap3A_38] {strides = array<i32>} : memref<256xf32, #tpu.memory_space<vmem>>, vector<16xf32>,
    tpu.vector_store %arg5[%swap3A_38], %scan3A_16#10 {strides = array<i32>} : memref<256xf32, #tpu.memory_space<vmem>>, vector<16xf32>,
    %swap3A_40 = arith.constant 176 : index
    %swap3A_41 = tpu.vector_load %arg5[%swap3A_40] {strides = array<i32>} : memref<256xf32, #tpu.memory_space<vmem>>, vector<16xf32>,
    tpu.vector_store %arg5[%swap3A_40], %scan3A_16#11 {strides = array<i32>} : memref<256xf32, #tpu.memory_space<vmem>>, vector<16xf32>,
    %swap3A_42 = arith.constant 192 : index
    %swap3A_43 = tpu.vector_load %arg5[%swap3A_42] {strides = array<i32>} : memref<256xf32, #tpu.memory_space<vmem>>, vector<16xf32>,
    tpu.vector_store %arg5[%swap3A_42], %scan3A_16#12 {strides = array<i32>} : memref<256xf32, #tpu.memory_space<vmem>>, vector<16xf32>,
    "tpu.region"() ({
      %run_scoped3A = tpu.sem_alloc : memref<!tpu.dma_semaphore, #tpu.memory_space<semaphore_mem>>
      %dma_start3A = arith.constant 0 : i32
      %dma_start3A_152 = tpu.memref_slice %arg3[%add3A_12, %dma_start3A] : memref<128x256xf32, #tpu.memory_space<hbm>> -> memref<1x256xf32, #tpu.memory_space<hbm>>
      %dma_start3A_153 = tpu.memref_squeeze %dma_start3A_152 : memref<1x256xf32, #tpu.memory_space<hbm>> -> memref<256xf32, #tpu.memory_space<hbm>>
      %dma_start3A_154 = arith.constant 0 : i32
      %dma_start3A_155 = tpu.memref_slice %arg3[%add3A_12, %dma_start3A_154] : memref<128x256xf32, #tpu.memory_space<hbm>> -> memref<1x256xf32, #tpu.memory_space<hbm>>
      %dma_start3A_156 = tpu.memref_squeeze %dma_start3A_155 : memref<1x256xf32, #tpu.memory_space<hbm>> -> memref<256xf32, #tpu.memory_space<hbm>>
      tpu.enqueue_dma source(%arg5 : memref<256xf32, #tpu.memory_space<vmem>>) target(%dma_start3A_156 : memref<256xf32, #tpu.memory_space<hbm>>) target_semaphore(%run_scoped3A : memref<!tpu.dma_semaphore, #tpu.memory_space<semaphore_mem>>)
      %dma_wait3A = arith.constant 0 : i32
      %dma_wait3A_157 = tpu.memref_slice %arg3[%add3A_12, %dma_wait3A] : memref<128x256xf32, #tpu.memory_space<hbm>> -> memref<1x256xf32, #tpu.memory_space<hbm>>
      %dma_wait3A_158 = tpu.memref_squeeze %dma_wait3A_157 : memref<1x256xf32, #tpu.memory_space<hbm>> -> memref<256xf32, #tpu.memory_space<hbm>>
      %dma_wait3A_159 = arith.constant 0 : i32
      %dma_wait3A_160 = tpu.memref_slice %arg3[%add3A_12, %dma_wait3A_159] : memref<128x256xf32, #tpu.memory_space<hbm>> -> memref<1x256xf32, #tpu.memory_space<hbm>>
      %dma_wait3A_161 = tpu.memref_squeeze %dma_wait3A_160 : memref<1x256xf32, #tpu.memory_space<hbm>> -> memref<256xf32, #tpu.memory_space<hbm>>
      tpu.wait_dma2 semaphore(%run_scoped3A : memref<!tpu.dma_semaphore, #tpu.memory_space<semaphore_mem>>) src(%arg5 : memref<256xf32, #tpu.memory_space<vmem>>) dst(%dma_wait3A_161 : memref<256xf32, #tpu.memory_space<hbm>>)
      tpu.yield
    }) : () -> ()
    %mul3A_44 = arith.constant 4 : i32
    %mul3A_45 = arith.muli %add3A, %mul3A_44 : i32
    %add3A_46 = arith.constant 1 : i32
    %add3A_47 = arith.addi %mul3A_45, %add3A_46 : i32
    "tpu.region"() ({
      %run_scoped3A = tpu.sem_alloc : memref<!tpu.dma_semaphore, #tpu.memory_space<semaphore_mem>>
      %dma_start3A = arith.constant 0 : i32
      %dma_start3A_152 = arith.constant 0 : i32
      %dma_start3A_153 = tpu.memref_slice %arg2[%add3A_47, %dma_start3A, %dma_start3A_152] : memref<128x384x196xf32, #tpu.memory_space<hbm>> -> memref<1x384x196xf32, #tpu.memory_space<hbm>>
      %dma_start3A_154 = tpu.memref_squeeze %dma_start3A_153 : memref<1x384x196xf32, #tpu.memory_space<hbm>> -> memref<384x196xf32, #tpu.memory_space<hbm>>
      %dma_start3A_155 = arith.constant 0 : i32
      %dma_start3A_156 = arith.constant 0 : i32
      %dma_start3A_157 = tpu.memref_slice %arg2[%add3A_47, %dma_start3A_155, %dma_start3A_156] : memref<128x384x196xf32, #tpu.memory_space<hbm>> -> memref<1x384x196xf32, #tpu.memory_space<hbm>>
      %dma_start3A_158 = tpu.memref_squeeze %dma_start3A_157 : memref<1x384x196xf32, #tpu.memory_space<hbm>> -> memref<384x196xf32, #tpu.memory_space<hbm>>
      tpu.enqueue_dma source(%dma_start3A_158 : memref<384x196xf32, #tpu.memory_space<hbm>>) target(%arg4 : memref<384x196xf32, #tpu.memory_space<vmem>>) target_semaphore(%run_scoped3A : memref<!tpu.dma_semaphore, #tpu.memory_space<semaphore_mem>>)
      %dma_wait3A = arith.constant 0 : i32
      %dma_wait3A_159 = arith.constant 0 : i32
      %dma_wait3A_160 = tpu.memref_slice %arg2[%add3A_47, %dma_wait3A, %dma_wait3A_159] : memref<128x384x196xf32, #tpu.memory_space<hbm>> -> memref<1x384x196xf32, #tpu.memory_space<hbm>>
      %dma_wait3A_161 = tpu.memref_squeeze %dma_wait3A_160 : memref<1x384x196xf32, #tpu.memory_space<hbm>> -> memref<384x196xf32, #tpu.memory_space<hbm>>
      %dma_wait3A_162 = arith.constant 0 : i32
      %dma_wait3A_163 = arith.constant 0 : i32
      %dma_wait3A_164 = tpu.memref_slice %arg2[%add3A_47, %dma_wait3A_162, %dma_wait3A_163] : memref<128x384x196xf32, #tpu.memory_space<hbm>> -> memref<1x384x196xf32, #tpu.memory_space<hbm>>
      %dma_wait3A_165 = tpu.memref_squeeze %dma_wait3A_164 : memref<1x384x196xf32, #tpu.memory_space<hbm>> -> memref<384x196xf32, #tpu.memory_space<hbm>>
      tpu.wait_dma2 semaphore(%run_scoped3A : memref<!tpu.dma_semaphore, #tpu.memory_space<semaphore_mem>>) src(%dma_wait3A_165 : memref<384x196xf32, #tpu.memory_space<hbm>>) dst(%arg4 : memref<384x196xf32, #tpu.memory_space<vmem>>)
      tpu.yield
    }) : () -> ()
    %scan3A_48 = arith.constant 0 : i32
    %scan3A_49 = arith.constant 384 : i32
    %scan3A_50 = arith.addi %scan3A_48, %scan3A_49 : i32
    %scan3A_51 = arith.constant 1 : i32
    %scan3A_52:13 = scf.for %scan3A_152 = %scan3A_48 to %scan3A_50 step %scan3A_51 iter_args(%scan3A_153 = %broadcast_in_dim3A_3, %scan3A_154 = %broadcast_in_dim3A_3, %scan3A_155 = %broadcast_in_dim3A_3, %scan3A_156 = %broadcast_in_dim3A_3, %scan3A_157 = %broadcast_in_dim3A_3, %scan3A_158 = %broadcast_in_dim3A_3, %scan3A_159 = %broadcast_in_dim3A_3, %scan3A_160 = %broadcast_in_dim3A_3, %scan3A_161 = %broadcast_in_dim3A_3, %scan3A_162 = %broadcast_in_dim3A_3, %scan3A_163 = %broadcast_in_dim3A_3, %scan3A_164 = %broadcast_in_dim3A_3, %scan3A_165 = %broadcast_in_dim3A_3) -> (vector<16xf32>, vector<16xf32>, vector<16xf32>, vector<16xf32>, vector<16xf32>, vector<16xf32>, vector<16xf32>, vector<16xf32>, vector<16xf32>, vector<16xf32>, vector<16xf32>, vector<16xf32>, vector<16xf32>)  : i32 {
      %get3A = arith.index_cast %scan3A_152 : i32 to index
      %get3A_166 = arith.constant 0 : index
      %get3A_167 = tpu.vector_load %arg4[%get3A, %get3A_166] {strides = array<i32>} : memref<384x196xf32, #tpu.memory_space<vmem>>, vector<16xf32>,
      %mul3A_168 = arith.mulf %get3A_167, %get3A_167 : vector<16xf32>
      %add3A_169 = arith.addf %scan3A_153, %mul3A_168 : vector<16xf32>
      %get3A_170 = arith.index_cast %scan3A_152 : i32 to index
      %get3A_171 = arith.constant 16 : index
      %get3A_172 = tpu.vector_load %arg4[%get3A_170, %get3A_171] {strides = array<i32>} : memref<384x196xf32, #tpu.memory_space<vmem>>, vector<16xf32>,
      %mul3A_173 = arith.mulf %get3A_172, %get3A_172 : vector<16xf32>
      %add3A_174 = arith.addf %scan3A_154, %mul3A_173 : vector<16xf32>
      %get3A_175 = arith.index_cast %scan3A_152 : i32 to index
      %get3A_176 = arith.constant 32 : index
      %get3A_177 = tpu.vector_load %arg4[%get3A_175, %get3A_176] {strides = array<i32>} : memref<384x196xf32, #tpu.memory_space<vmem>>, vector<16xf32>,
      %mul3A_178 = arith.mulf %get3A_177, %get3A_177 : vector<16xf32>
      %add3A_179 = arith.addf %scan3A_155, %mul3A_178 : vector<16xf32>
      %get3A_180 = arith.index_cast %scan3A_152 : i32 to index
      %get3A_181 = arith.constant 48 : index
      %get3A_182 = tpu.vector_load %arg4[%get3A_180, %get3A_181] {strides = array<i32>} : memref<384x196xf32, #tpu.memory_space<vmem>>, vector<16xf32>,
      %mul3A_183 = arith.mulf %get3A_182, %get3A_182 : vector<16xf32>
      %add3A_184 = arith.addf %scan3A_156, %mul3A_183 : vector<16xf32>
      %get3A_185 = arith.index_cast %scan3A_152 : i32 to index
      %get3A_186 = arith.constant 64 : index
      %get3A_187 = tpu.vector_load %arg4[%get3A_185, %get3A_186] {strides = array<i32>} : memref<384x196xf32, #tpu.memory_space<vmem>>, vector<16xf32>,
      %mul3A_188 = arith.mulf %get3A_187, %get3A_187 : vector<16xf32>
      %add3A_189 = arith.addf %scan3A_157, %mul3A_188 : vector<16xf32>
      %get3A_190 = arith.index_cast %scan3A_152 : i32 to index
      %get3A_191 = arith.constant 80 : index
      %get3A_192 = tpu.vector_load %arg4[%get3A_190, %get3A_191] {strides = array<i32>} : memref<384x196xf32, #tpu.memory_space<vmem>>, vector<16xf32>,
      %mul3A_193 = arith.mulf %get3A_192, %get3A_192 : vector<16xf32>
      %add3A_194 = arith.addf %scan3A_158, %mul3A_193 : vector<16xf32>
      %get3A_195 = arith.index_cast %scan3A_152 : i32 to index
      %get3A_196 = arith.constant 96 : index
      %get3A_197 = tpu.vector_load %arg4[%get3A_195, %get3A_196] {strides = array<i32>} : memref<384x196xf32, #tpu.memory_space<vmem>>, vector<16xf32>,
      %mul3A_198 = arith.mulf %get3A_197, %get3A_197 : vector<16xf32>
      %add3A_199 = arith.addf %scan3A_159, %mul3A_198 : vector<16xf32>
      %get3A_200 = arith.index_cast %scan3A_152 : i32 to index
      %get3A_201 = arith.constant 112 : index
      %get3A_202 = tpu.vector_load %arg4[%get3A_200, %get3A_201] {strides = array<i32>} : memref<384x196xf32, #tpu.memory_space<vmem>>, vector<16xf32>,
      %mul3A_203 = arith.mulf %get3A_202, %get3A_202 : vector<16xf32>
      %add3A_204 = arith.addf %scan3A_160, %mul3A_203 : vector<16xf32>
      %get3A_205 = arith.index_cast %scan3A_152 : i32 to index
      %get3A_206 = arith.constant 128 : index
      %get3A_207 = tpu.vector_load %arg4[%get3A_205, %get3A_206] {strides = array<i32>} : memref<384x196xf32, #tpu.memory_space<vmem>>, vector<16xf32>,
      %mul3A_208 = arith.mulf %get3A_207, %get3A_207 : vector<16xf32>
      %add3A_209 = arith.addf %scan3A_161, %mul3A_208 : vector<16xf32>
      %get3A_210 = arith.index_cast %scan3A_152 : i32 to index
      %get3A_211 = arith.constant 144 : index
      %get3A_212 = tpu.vector_load %arg4[%get3A_210, %get3A_211] {strides = array<i32>} : memref<384x196xf32, #tpu.memory_space<vmem>>, vector<16xf32>,
      %mul3A_213 = arith.mulf %get3A_212, %get3A_212 : vector<16xf32>
      %add3A_214 = arith.addf %scan3A_162, %mul3A_213 : vector<16xf32>
      %get3A_215 = arith.index_cast %scan3A_152 : i32 to index
      %get3A_216 = arith.constant 160 : index
      %get3A_217 = tpu.vector_load %arg4[%get3A_215, %get3A_216] {strides = array<i32>} : memref<384x196xf32, #tpu.memory_space<vmem>>, vector<16xf32>,
      %mul3A_218 = arith.mulf %get3A_217, %get3A_217 : vector<16xf32>
      %add3A_219 = arith.addf %scan3A_163, %mul3A_218 : vector<16xf32>
      %get3A_220 = arith.index_cast %scan3A_152 : i32 to index
      %get3A_221 = arith.constant 176 : index
      %get3A_222 = tpu.vector_load %arg4[%get3A_220, %get3A_221] {strides = array<i32>} : memref<384x196xf32, #tpu.memory_space<vmem>>, vector<16xf32>,
      %mul3A_223 = arith.mulf %get3A_222, %get3A_222 : vector<16xf32>
      %add3A_224 = arith.addf %scan3A_164, %mul3A_223 : vector<16xf32>
      %get3A_225 = arith.index_cast %scan3A_152 : i32 to index
      %get3A_226 = arith.constant 180 : index
      %get3A_227 = tpu.vector_load %arg4[%get3A_225, %get3A_226] {strides = array<i32>} : memref<384x196xf32, #tpu.memory_space<vmem>>, vector<16xf32>,
      %mul3A_228 = arith.mulf %get3A_227, %get3A_227 : vector<16xf32>
      %jit3A = arith.constant 0.000000e+00 : f32
      %broadcast_in_dim3A_229 = vector.broadcast %jit3A : f32 to vector<16xf32>
      %select_n3A = arith.select %ge3A_2, %mul3A_228, %broadcast_in_dim3A_229 : vector<16xi1>, vector<16xf32>
      %add3A_230 = arith.addf %scan3A_165, %select_n3A : vector<16xf32>
      scf.yield %add3A_169, %add3A_174, %add3A_179, %add3A_184, %add3A_189, %add3A_194, %add3A_199, %add3A_204, %add3A_209, %add3A_214, %add3A_219, %add3A_224, %add3A_230 : vector<16xf32>, vector<16xf32>, vector<16xf32>, vector<16xf32>, vector<16xf32>, vector<16xf32>, vector<16xf32>, vector<16xf32>, vector<16xf32>, vector<16xf32>, vector<16xf32>, vector<16xf32>, vector<16xf32>
    }
    %scan3A_53 = arith.constant 384 : i32
    %swap3A_54 = arith.constant 0 : index
    %swap3A_55 = tpu.vector_load %arg5[%swap3A_54] {strides = array<i32>} : memref<256xf32, #tpu.memory_space<vmem>>, vector<16xf32>,
    tpu.vector_store %arg5[%swap3A_54], %scan3A_52#0 {strides = array<i32>} : memref<256xf32, #tpu.memory_space<vmem>>, vector<16xf32>,
    %swap3A_56 = arith.constant 16 : index
    %swap3A_57 = tpu.vector_load %arg5[%swap3A_56] {strides = array<i32>} : memref<256xf32, #tpu.memory_space<vmem>>, vector<16xf32>,
    tpu.vector_store %arg5[%swap3A_56], %scan3A_52#1 {strides = array<i32>} : memref<256xf32, #tpu.memory_space<vmem>>, vector<16xf32>,
    %swap3A_58 = arith.constant 32 : index
    %swap3A_59 = tpu.vector_load %arg5[%swap3A_58] {strides = array<i32>} : memref<256xf32, #tpu.memory_space<vmem>>, vector<16xf32>,
    tpu.vector_store %arg5[%swap3A_58], %scan3A_52#2 {strides = array<i32>} : memref<256xf32, #tpu.memory_space<vmem>>, vector<16xf32>,
    %swap3A_60 = arith.constant 48 : index
    %swap3A_61 = tpu.vector_load %arg5[%swap3A_60] {strides = array<i32>} : memref<256xf32, #tpu.memory_space<vmem>>, vector<16xf32>,
    tpu.vector_store %arg5[%swap3A_60], %scan3A_52#3 {strides = array<i32>} : memref<256xf32, #tpu.memory_space<vmem>>, vector<16xf32>,
    %swap3A_62 = arith.constant 64 : index
    %swap3A_63 = tpu.vector_load %arg5[%swap3A_62] {strides = array<i32>} : memref<256xf32, #tpu.memory_space<vmem>>, vector<16xf32>,
    tpu.vector_store %arg5[%swap3A_62], %scan3A_52#4 {strides = array<i32>} : memref<256xf32, #tpu.memory_space<vmem>>, vector<16xf32>,
    %swap3A_64 = arith.constant 80 : index
    %swap3A_65 = tpu.vector_load %arg5[%swap3A_64] {strides = array<i32>} : memref<256xf32, #tpu.memory_space<vmem>>, vector<16xf32>,
    tpu.vector_store %arg5[%swap3A_64], %scan3A_52#5 {strides = array<i32>} : memref<256xf32, #tpu.memory_space<vmem>>, vector<16xf32>,
    %swap3A_66 = arith.constant 96 : index
    %swap3A_67 = tpu.vector_load %arg5[%swap3A_66] {strides = array<i32>} : memref<256xf32, #tpu.memory_space<vmem>>, vector<16xf32>,
    tpu.vector_store %arg5[%swap3A_66], %scan3A_52#6 {strides = array<i32>} : memref<256xf32, #tpu.memory_space<vmem>>, vector<16xf32>,
    %swap3A_68 = arith.constant 112 : index
    %swap3A_69 = tpu.vector_load %arg5[%swap3A_68] {strides = array<i32>} : memref<256xf32, #tpu.memory_space<vmem>>, vector<16xf32>,
    tpu.vector_store %arg5[%swap3A_68], %scan3A_52#7 {strides = array<i32>} : memref<256xf32, #tpu.memory_space<vmem>>, vector<16xf32>,
    %swap3A_70 = arith.constant 128 : index
    %swap3A_71 = tpu.vector_load %arg5[%swap3A_70] {strides = array<i32>} : memref<256xf32, #tpu.memory_space<vmem>>, vector<16xf32>,
    tpu.vector_store %arg5[%swap3A_70], %scan3A_52#8 {strides = array<i32>} : memref<256xf32, #tpu.memory_space<vmem>>, vector<16xf32>,
    %swap3A_72 = arith.constant 144 : index
    %swap3A_73 = tpu.vector_load %arg5[%swap3A_72] {strides = array<i32>} : memref<256xf32, #tpu.memory_space<vmem>>, vector<16xf32>,
    tpu.vector_store %arg5[%swap3A_72], %scan3A_52#9 {strides = array<i32>} : memref<256xf32, #tpu.memory_space<vmem>>, vector<16xf32>,
    %swap3A_74 = arith.constant 160 : index
    %swap3A_75 = tpu.vector_load %arg5[%swap3A_74] {strides = array<i32>} : memref<256xf32, #tpu.memory_space<vmem>>, vector<16xf32>,
    tpu.vector_store %arg5[%swap3A_74], %scan3A_52#10 {strides = array<i32>} : memref<256xf32, #tpu.memory_space<vmem>>, vector<16xf32>,
    %swap3A_76 = arith.constant 176 : index
    %swap3A_77 = tpu.vector_load %arg5[%swap3A_76] {strides = array<i32>} : memref<256xf32, #tpu.memory_space<vmem>>, vector<16xf32>,
    tpu.vector_store %arg5[%swap3A_76], %scan3A_52#11 {strides = array<i32>} : memref<256xf32, #tpu.memory_space<vmem>>, vector<16xf32>,
    %swap3A_78 = arith.constant 192 : index
    %swap3A_79 = tpu.vector_load %arg5[%swap3A_78] {strides = array<i32>} : memref<256xf32, #tpu.memory_space<vmem>>, vector<16xf32>,
    tpu.vector_store %arg5[%swap3A_78], %scan3A_52#12 {strides = array<i32>} : memref<256xf32, #tpu.memory_space<vmem>>, vector<16xf32>,
    "tpu.region"() ({
      %run_scoped3A = tpu.sem_alloc : memref<!tpu.dma_semaphore, #tpu.memory_space<semaphore_mem>>
      %dma_start3A = arith.constant 0 : i32
      %dma_start3A_152 = tpu.memref_slice %arg3[%add3A_47, %dma_start3A] : memref<128x256xf32, #tpu.memory_space<hbm>> -> memref<1x256xf32, #tpu.memory_space<hbm>>
      %dma_start3A_153 = tpu.memref_squeeze %dma_start3A_152 : memref<1x256xf32, #tpu.memory_space<hbm>> -> memref<256xf32, #tpu.memory_space<hbm>>
      %dma_start3A_154 = arith.constant 0 : i32
      %dma_start3A_155 = tpu.memref_slice %arg3[%add3A_47, %dma_start3A_154] : memref<128x256xf32, #tpu.memory_space<hbm>> -> memref<1x256xf32, #tpu.memory_space<hbm>>
      %dma_start3A_156 = tpu.memref_squeeze %dma_start3A_155 : memref<1x256xf32, #tpu.memory_space<hbm>> -> memref<256xf32, #tpu.memory_space<hbm>>
      tpu.enqueue_dma source(%arg5 : memref<256xf32, #tpu.memory_space<vmem>>) target(%dma_start3A_156 : memref<256xf32, #tpu.memory_space<hbm>>) target_semaphore(%run_scoped3A : memref<!tpu.dma_semaphore, #tpu.memory_space<semaphore_mem>>)
      %dma_wait3A = arith.constant 0 : i32
      %dma_wait3A_157 = tpu.memref_slice %arg3[%add3A_47, %dma_wait3A] : memref<128x256xf32, #tpu.memory_space<hbm>> -> memref<1x256xf32, #tpu.memory_space<hbm>>
      %dma_wait3A_158 = tpu.memref_squeeze %dma_wait3A_157 : memref<1x256xf32, #tpu.memory_space<hbm>> -> memref<256xf32, #tpu.memory_space<hbm>>
      %dma_wait3A_159 = arith.constant 0 : i32
      %dma_wait3A_160 = tpu.memref_slice %arg3[%add3A_47, %dma_wait3A_159] : memref<128x256xf32, #tpu.memory_space<hbm>> -> memref<1x256xf32, #tpu.memory_space<hbm>>
      %dma_wait3A_161 = tpu.memref_squeeze %dma_wait3A_160 : memref<1x256xf32, #tpu.memory_space<hbm>> -> memref<256xf32, #tpu.memory_space<hbm>>
      tpu.wait_dma2 semaphore(%run_scoped3A : memref<!tpu.dma_semaphore, #tpu.memory_space<semaphore_mem>>) src(%arg5 : memref<256xf32, #tpu.memory_space<vmem>>) dst(%dma_wait3A_161 : memref<256xf32, #tpu.memory_space<hbm>>)
      tpu.yield
    }) : () -> ()
    %mul3A_80 = arith.constant 4 : i32
    %mul3A_81 = arith.muli %add3A, %mul3A_80 : i32
    %add3A_82 = arith.constant 2 : i32
    %add3A_83 = arith.addi %mul3A_81, %add3A_82 : i32
    "tpu.region"() ({
      %run_scoped3A = tpu.sem_alloc : memref<!tpu.dma_semaphore, #tpu.memory_space<semaphore_mem>>
      %dma_start3A = arith.constant 0 : i32
      %dma_start3A_152 = arith.constant 0 : i32
      %dma_start3A_153 = tpu.memref_slice %arg2[%add3A_83, %dma_start3A, %dma_start3A_152] : memref<128x384x196xf32, #tpu.memory_space<hbm>> -> memref<1x384x196xf32, #tpu.memory_space<hbm>>
      %dma_start3A_154 = tpu.memref_squeeze %dma_start3A_153 : memref<1x384x196xf32, #tpu.memory_space<hbm>> -> memref<384x196xf32, #tpu.memory_space<hbm>>
      %dma_start3A_155 = arith.constant 0 : i32
      %dma_start3A_156 = arith.constant 0 : i32
      %dma_start3A_157 = tpu.memref_slice %arg2[%add3A_83, %dma_start3A_155, %dma_start3A_156] : memref<128x384x196xf32, #tpu.memory_space<hbm>> -> memref<1x384x196xf32, #tpu.memory_space<hbm>>
      %dma_start3A_158 = tpu.memref_squeeze %dma_start3A_157 : memref<1x384x196xf32, #tpu.memory_space<hbm>> -> memref<384x196xf32, #tpu.memory_space<hbm>>
      tpu.enqueue_dma source(%dma_start3A_158 : memref<384x196xf32, #tpu.memory_space<hbm>>) target(%arg4 : memref<384x196xf32, #tpu.memory_space<vmem>>) target_semaphore(%run_scoped3A : memref<!tpu.dma_semaphore, #tpu.memory_space<semaphore_mem>>)
      %dma_wait3A = arith.constant 0 : i32
      %dma_wait3A_159 = arith.constant 0 : i32
      %dma_wait3A_160 = tpu.memref_slice %arg2[%add3A_83, %dma_wait3A, %dma_wait3A_159] : memref<128x384x196xf32, #tpu.memory_space<hbm>> -> memref<1x384x196xf32, #tpu.memory_space<hbm>>
      %dma_wait3A_161 = tpu.memref_squeeze %dma_wait3A_160 : memref<1x384x196xf32, #tpu.memory_space<hbm>> -> memref<384x196xf32, #tpu.memory_space<hbm>>
      %dma_wait3A_162 = arith.constant 0 : i32
      %dma_wait3A_163 = arith.constant 0 : i32
      %dma_wait3A_164 = tpu.memref_slice %arg2[%add3A_83, %dma_wait3A_162, %dma_wait3A_163] : memref<128x384x196xf32, #tpu.memory_space<hbm>> -> memref<1x384x196xf32, #tpu.memory_space<hbm>>
      %dma_wait3A_165 = tpu.memref_squeeze %dma_wait3A_164 : memref<1x384x196xf32, #tpu.memory_space<hbm>> -> memref<384x196xf32, #tpu.memory_space<hbm>>
      tpu.wait_dma2 semaphore(%run_scoped3A : memref<!tpu.dma_semaphore, #tpu.memory_space<semaphore_mem>>) src(%dma_wait3A_165 : memref<384x196xf32, #tpu.memory_space<hbm>>) dst(%arg4 : memref<384x196xf32, #tpu.memory_space<vmem>>)
      tpu.yield
    }) : () -> ()
    %scan3A_84 = arith.constant 0 : i32
    %scan3A_85 = arith.constant 384 : i32
    %scan3A_86 = arith.addi %scan3A_84, %scan3A_85 : i32
    %scan3A_87 = arith.constant 1 : i32
    %scan3A_88:13 = scf.for %scan3A_152 = %scan3A_84 to %scan3A_86 step %scan3A_87 iter_args(%scan3A_153 = %broadcast_in_dim3A_3, %scan3A_154 = %broadcast_in_dim3A_3, %scan3A_155 = %broadcast_in_dim3A_3, %scan3A_156 = %broadcast_in_dim3A_3, %scan3A_157 = %broadcast_in_dim3A_3, %scan3A_158 = %broadcast_in_dim3A_3, %scan3A_159 = %broadcast_in_dim3A_3, %scan3A_160 = %broadcast_in_dim3A_3, %scan3A_161 = %broadcast_in_dim3A_3, %scan3A_162 = %broadcast_in_dim3A_3, %scan3A_163 = %broadcast_in_dim3A_3, %scan3A_164 = %broadcast_in_dim3A_3, %scan3A_165 = %broadcast_in_dim3A_3) -> (vector<16xf32>, vector<16xf32>, vector<16xf32>, vector<16xf32>, vector<16xf32>, vector<16xf32>, vector<16xf32>, vector<16xf32>, vector<16xf32>, vector<16xf32>, vector<16xf32>, vector<16xf32>, vector<16xf32>)  : i32 {
      %get3A = arith.index_cast %scan3A_152 : i32 to index
      %get3A_166 = arith.constant 0 : index
      %get3A_167 = tpu.vector_load %arg4[%get3A, %get3A_166] {strides = array<i32>} : memref<384x196xf32, #tpu.memory_space<vmem>>, vector<16xf32>,
      %mul3A_168 = arith.mulf %get3A_167, %get3A_167 : vector<16xf32>
      %add3A_169 = arith.addf %scan3A_153, %mul3A_168 : vector<16xf32>
      %get3A_170 = arith.index_cast %scan3A_152 : i32 to index
      %get3A_171 = arith.constant 16 : index
      %get3A_172 = tpu.vector_load %arg4[%get3A_170, %get3A_171] {strides = array<i32>} : memref<384x196xf32, #tpu.memory_space<vmem>>, vector<16xf32>,
      %mul3A_173 = arith.mulf %get3A_172, %get3A_172 : vector<16xf32>
      %add3A_174 = arith.addf %scan3A_154, %mul3A_173 : vector<16xf32>
      %get3A_175 = arith.index_cast %scan3A_152 : i32 to index
      %get3A_176 = arith.constant 32 : index
      %get3A_177 = tpu.vector_load %arg4[%get3A_175, %get3A_176] {strides = array<i32>} : memref<384x196xf32, #tpu.memory_space<vmem>>, vector<16xf32>,
      %mul3A_178 = arith.mulf %get3A_177, %get3A_177 : vector<16xf32>
      %add3A_179 = arith.addf %scan3A_155, %mul3A_178 : vector<16xf32>
      %get3A_180 = arith.index_cast %scan3A_152 : i32 to index
      %get3A_181 = arith.constant 48 : index
      %get3A_182 = tpu.vector_load %arg4[%get3A_180, %get3A_181] {strides = array<i32>} : memref<384x196xf32, #tpu.memory_space<vmem>>, vector<16xf32>,
      %mul3A_183 = arith.mulf %get3A_182, %get3A_182 : vector<16xf32>
      %add3A_184 = arith.addf %scan3A_156, %mul3A_183 : vector<16xf32>
      %get3A_185 = arith.index_cast %scan3A_152 : i32 to index
      %get3A_186 = arith.constant 64 : index
      %get3A_187 = tpu.vector_load %arg4[%get3A_185, %get3A_186] {strides = array<i32>} : memref<384x196xf32, #tpu.memory_space<vmem>>, vector<16xf32>,
      %mul3A_188 = arith.mulf %get3A_187, %get3A_187 : vector<16xf32>
      %add3A_189 = arith.addf %scan3A_157, %mul3A_188 : vector<16xf32>
      %get3A_190 = arith.index_cast %scan3A_152 : i32 to index
      %get3A_191 = arith.constant 80 : index
      %get3A_192 = tpu.vector_load %arg4[%get3A_190, %get3A_191] {strides = array<i32>} : memref<384x196xf32, #tpu.memory_space<vmem>>, vector<16xf32>,
      %mul3A_193 = arith.mulf %get3A_192, %get3A_192 : vector<16xf32>
      %add3A_194 = arith.addf %scan3A_158, %mul3A_193 : vector<16xf32>
      %get3A_195 = arith.index_cast %scan3A_152 : i32 to index
      %get3A_196 = arith.constant 96 : index
      %get3A_197 = tpu.vector_load %arg4[%get3A_195, %get3A_196] {strides = array<i32>} : memref<384x196xf32, #tpu.memory_space<vmem>>, vector<16xf32>,
      %mul3A_198 = arith.mulf %get3A_197, %get3A_197 : vector<16xf32>
      %add3A_199 = arith.addf %scan3A_159, %mul3A_198 : vector<16xf32>
      %get3A_200 = arith.index_cast %scan3A_152 : i32 to index
      %get3A_201 = arith.constant 112 : index
      %get3A_202 = tpu.vector_load %arg4[%get3A_200, %get3A_201] {strides = array<i32>} : memref<384x196xf32, #tpu.memory_space<vmem>>, vector<16xf32>,
      %mul3A_203 = arith.mulf %get3A_202, %get3A_202 : vector<16xf32>
      %add3A_204 = arith.addf %scan3A_160, %mul3A_203 : vector<16xf32>
      %get3A_205 = arith.index_cast %scan3A_152 : i32 to index
      %get3A_206 = arith.constant 128 : index
      %get3A_207 = tpu.vector_load %arg4[%get3A_205, %get3A_206] {strides = array<i32>} : memref<384x196xf32, #tpu.memory_space<vmem>>, vector<16xf32>,
      %mul3A_208 = arith.mulf %get3A_207, %get3A_207 : vector<16xf32>
      %add3A_209 = arith.addf %scan3A_161, %mul3A_208 : vector<16xf32>
      %get3A_210 = arith.index_cast %scan3A_152 : i32 to index
      %get3A_211 = arith.constant 144 : index
      %get3A_212 = tpu.vector_load %arg4[%get3A_210, %get3A_211] {strides = array<i32>} : memref<384x196xf32, #tpu.memory_space<vmem>>, vector<16xf32>,
      %mul3A_213 = arith.mulf %get3A_212, %get3A_212 : vector<16xf32>
      %add3A_214 = arith.addf %scan3A_162, %mul3A_213 : vector<16xf32>
      %get3A_215 = arith.index_cast %scan3A_152 : i32 to index
      %get3A_216 = arith.constant 160 : index
      %get3A_217 = tpu.vector_load %arg4[%get3A_215, %get3A_216] {strides = array<i32>} : memref<384x196xf32, #tpu.memory_space<vmem>>, vector<16xf32>,
      %mul3A_218 = arith.mulf %get3A_217, %get3A_217 : vector<16xf32>
      %add3A_219 = arith.addf %scan3A_163, %mul3A_218 : vector<16xf32>
      %get3A_220 = arith.index_cast %scan3A_152 : i32 to index
      %get3A_221 = arith.constant 176 : index
      %get3A_222 = tpu.vector_load %arg4[%get3A_220, %get3A_221] {strides = array<i32>} : memref<384x196xf32, #tpu.memory_space<vmem>>, vector<16xf32>,
      %mul3A_223 = arith.mulf %get3A_222, %get3A_222 : vector<16xf32>
      %add3A_224 = arith.addf %scan3A_164, %mul3A_223 : vector<16xf32>
      %get3A_225 = arith.index_cast %scan3A_152 : i32 to index
      %get3A_226 = arith.constant 180 : index
      %get3A_227 = tpu.vector_load %arg4[%get3A_225, %get3A_226] {strides = array<i32>} : memref<384x196xf32, #tpu.memory_space<vmem>>, vector<16xf32>,
      %mul3A_228 = arith.mulf %get3A_227, %get3A_227 : vector<16xf32>
      %jit3A = arith.constant 0.000000e+00 : f32
      %broadcast_in_dim3A_229 = vector.broadcast %jit3A : f32 to vector<16xf32>
      %select_n3A = arith.select %ge3A_2, %mul3A_228, %broadcast_in_dim3A_229 : vector<16xi1>, vector<16xf32>
      %add3A_230 = arith.addf %scan3A_165, %select_n3A : vector<16xf32>
      scf.yield %add3A_169, %add3A_174, %add3A_179, %add3A_184, %add3A_189, %add3A_194, %add3A_199, %add3A_204, %add3A_209, %add3A_214, %add3A_219, %add3A_224, %add3A_230 : vector<16xf32>, vector<16xf32>, vector<16xf32>, vector<16xf32>, vector<16xf32>, vector<16xf32>, vector<16xf32>, vector<16xf32>, vector<16xf32>, vector<16xf32>, vector<16xf32>, vector<16xf32>, vector<16xf32>
    }
    %scan3A_89 = arith.constant 384 : i32
    %swap3A_90 = arith.constant 0 : index
    %swap3A_91 = tpu.vector_load %arg5[%swap3A_90] {strides = array<i32>} : memref<256xf32, #tpu.memory_space<vmem>>, vector<16xf32>,
    tpu.vector_store %arg5[%swap3A_90], %scan3A_88#0 {strides = array<i32>} : memref<256xf32, #tpu.memory_space<vmem>>, vector<16xf32>,
    %swap3A_92 = arith.constant 16 : index
    %swap3A_93 = tpu.vector_load %arg5[%swap3A_92] {strides = array<i32>} : memref<256xf32, #tpu.memory_space<vmem>>, vector<16xf32>,
    tpu.vector_store %arg5[%swap3A_92], %scan3A_88#1 {strides = array<i32>} : memref<256xf32, #tpu.memory_space<vmem>>, vector<16xf32>,
    %swap3A_94 = arith.constant 32 : index
    %swap3A_95 = tpu.vector_load %arg5[%swap3A_94] {strides = array<i32>} : memref<256xf32, #tpu.memory_space<vmem>>, vector<16xf32>,
    tpu.vector_store %arg5[%swap3A_94], %scan3A_88#2 {strides = array<i32>} : memref<256xf32, #tpu.memory_space<vmem>>, vector<16xf32>,
    %swap3A_96 = arith.constant 48 : index
    %swap3A_97 = tpu.vector_load %arg5[%swap3A_96] {strides = array<i32>} : memref<256xf32, #tpu.memory_space<vmem>>, vector<16xf32>,
    tpu.vector_store %arg5[%swap3A_96], %scan3A_88#3 {strides = array<i32>} : memref<256xf32, #tpu.memory_space<vmem>>, vector<16xf32>,
    %swap3A_98 = arith.constant 64 : index
    %swap3A_99 = tpu.vector_load %arg5[%swap3A_98] {strides = array<i32>} : memref<256xf32, #tpu.memory_space<vmem>>, vector<16xf32>,
    tpu.vector_store %arg5[%swap3A_98], %scan3A_88#4 {strides = array<i32>} : memref<256xf32, #tpu.memory_space<vmem>>, vector<16xf32>,
    %swap3A_100 = arith.constant 80 : index
    %swap3A_101 = tpu.vector_load %arg5[%swap3A_100] {strides = array<i32>} : memref<256xf32, #tpu.memory_space<vmem>>, vector<16xf32>,
    tpu.vector_store %arg5[%swap3A_100], %scan3A_88#5 {strides = array<i32>} : memref<256xf32, #tpu.memory_space<vmem>>, vector<16xf32>,
    %swap3A_102 = arith.constant 96 : index
    %swap3A_103 = tpu.vector_load %arg5[%swap3A_102] {strides = array<i32>} : memref<256xf32, #tpu.memory_space<vmem>>, vector<16xf32>,
    tpu.vector_store %arg5[%swap3A_102], %scan3A_88#6 {strides = array<i32>} : memref<256xf32, #tpu.memory_space<vmem>>, vector<16xf32>,
    %swap3A_104 = arith.constant 112 : index
    %swap3A_105 = tpu.vector_load %arg5[%swap3A_104] {strides = array<i32>} : memref<256xf32, #tpu.memory_space<vmem>>, vector<16xf32>,
    tpu.vector_store %arg5[%swap3A_104], %scan3A_88#7 {strides = array<i32>} : memref<256xf32, #tpu.memory_space<vmem>>, vector<16xf32>,
    %swap3A_106 = arith.constant 128 : index
    %swap3A_107 = tpu.vector_load %arg5[%swap3A_106] {strides = array<i32>} : memref<256xf32, #tpu.memory_space<vmem>>, vector<16xf32>,
    tpu.vector_store %arg5[%swap3A_106], %scan3A_88#8 {strides = array<i32>} : memref<256xf32, #tpu.memory_space<vmem>>, vector<16xf32>,
    %swap3A_108 = arith.constant 144 : index
    %swap3A_109 = tpu.vector_load %arg5[%swap3A_108] {strides = array<i32>} : memref<256xf32, #tpu.memory_space<vmem>>, vector<16xf32>,
    tpu.vector_store %arg5[%swap3A_108], %scan3A_88#9 {strides = array<i32>} : memref<256xf32, #tpu.memory_space<vmem>>, vector<16xf32>,
    %swap3A_110 = arith.constant 160 : index
    %swap3A_111 = tpu.vector_load %arg5[%swap3A_110] {strides = array<i32>} : memref<256xf32, #tpu.memory_space<vmem>>, vector<16xf32>,
    tpu.vector_store %arg5[%swap3A_110], %scan3A_88#10 {strides = array<i32>} : memref<256xf32, #tpu.memory_space<vmem>>, vector<16xf32>,
    %swap3A_112 = arith.constant 176 : index
    %swap3A_113 = tpu.vector_load %arg5[%swap3A_112] {strides = array<i32>} : memref<256xf32, #tpu.memory_space<vmem>>, vector<16xf32>,
    tpu.vector_store %arg5[%swap3A_112], %scan3A_88#11 {strides = array<i32>} : memref<256xf32, #tpu.memory_space<vmem>>, vector<16xf32>,
    %swap3A_114 = arith.constant 192 : index
    %swap3A_115 = tpu.vector_load %arg5[%swap3A_114] {strides = array<i32>} : memref<256xf32, #tpu.memory_space<vmem>>, vector<16xf32>,
    tpu.vector_store %arg5[%swap3A_114], %scan3A_88#12 {strides = array<i32>} : memref<256xf32, #tpu.memory_space<vmem>>, vector<16xf32>,
    "tpu.region"() ({
      %run_scoped3A = tpu.sem_alloc : memref<!tpu.dma_semaphore, #tpu.memory_space<semaphore_mem>>
      %dma_start3A = arith.constant 0 : i32
      %dma_start3A_152 = tpu.memref_slice %arg3[%add3A_83, %dma_start3A] : memref<128x256xf32, #tpu.memory_space<hbm>> -> memref<1x256xf32, #tpu.memory_space<hbm>>
      %dma_start3A_153 = tpu.memref_squeeze %dma_start3A_152 : memref<1x256xf32, #tpu.memory_space<hbm>> -> memref<256xf32, #tpu.memory_space<hbm>>
      %dma_start3A_154 = arith.constant 0 : i32
      %dma_start3A_155 = tpu.memref_slice %arg3[%add3A_83, %dma_start3A_154] : memref<128x256xf32, #tpu.memory_space<hbm>> -> memref<1x256xf32, #tpu.memory_space<hbm>>
      %dma_start3A_156 = tpu.memref_squeeze %dma_start3A_155 : memref<1x256xf32, #tpu.memory_space<hbm>> -> memref<256xf32, #tpu.memory_space<hbm>>
      tpu.enqueue_dma source(%arg5 : memref<256xf32, #tpu.memory_space<vmem>>) target(%dma_start3A_156 : memref<256xf32, #tpu.memory_space<hbm>>) target_semaphore(%run_scoped3A : memref<!tpu.dma_semaphore, #tpu.memory_space<semaphore_mem>>)
      %dma_wait3A = arith.constant 0 : i32
      %dma_wait3A_157 = tpu.memref_slice %arg3[%add3A_83, %dma_wait3A] : memref<128x256xf32, #tpu.memory_space<hbm>> -> memref<1x256xf32, #tpu.memory_space<hbm>>
      %dma_wait3A_158 = tpu.memref_squeeze %dma_wait3A_157 : memref<1x256xf32, #tpu.memory_space<hbm>> -> memref<256xf32, #tpu.memory_space<hbm>>
      %dma_wait3A_159 = arith.constant 0 : i32
      %dma_wait3A_160 = tpu.memref_slice %arg3[%add3A_83, %dma_wait3A_159] : memref<128x256xf32, #tpu.memory_space<hbm>> -> memref<1x256xf32, #tpu.memory_space<hbm>>
      %dma_wait3A_161 = tpu.memref_squeeze %dma_wait3A_160 : memref<1x256xf32, #tpu.memory_space<hbm>> -> memref<256xf32, #tpu.memory_space<hbm>>
      tpu.wait_dma2 semaphore(%run_scoped3A : memref<!tpu.dma_semaphore, #tpu.memory_space<semaphore_mem>>) src(%arg5 : memref<256xf32, #tpu.memory_space<vmem>>) dst(%dma_wait3A_161 : memref<256xf32, #tpu.memory_space<hbm>>)
      tpu.yield
    }) : () -> ()
    %mul3A_116 = arith.constant 4 : i32
    %mul3A_117 = arith.muli %add3A, %mul3A_116 : i32
    %add3A_118 = arith.constant 3 : i32
    %add3A_119 = arith.addi %mul3A_117, %add3A_118 : i32
    "tpu.region"() ({
      %run_scoped3A = tpu.sem_alloc : memref<!tpu.dma_semaphore, #tpu.memory_space<semaphore_mem>>
      %dma_start3A = arith.constant 0 : i32
      %dma_start3A_152 = arith.constant 0 : i32
      %dma_start3A_153 = tpu.memref_slice %arg2[%add3A_119, %dma_start3A, %dma_start3A_152] : memref<128x384x196xf32, #tpu.memory_space<hbm>> -> memref<1x384x196xf32, #tpu.memory_space<hbm>>
      %dma_start3A_154 = tpu.memref_squeeze %dma_start3A_153 : memref<1x384x196xf32, #tpu.memory_space<hbm>> -> memref<384x196xf32, #tpu.memory_space<hbm>>
      %dma_start3A_155 = arith.constant 0 : i32
      %dma_start3A_156 = arith.constant 0 : i32
      %dma_start3A_157 = tpu.memref_slice %arg2[%add3A_119, %dma_start3A_155, %dma_start3A_156] : memref<128x384x196xf32, #tpu.memory_space<hbm>> -> memref<1x384x196xf32, #tpu.memory_space<hbm>>
      %dma_start3A_158 = tpu.memref_squeeze %dma_start3A_157 : memref<1x384x196xf32, #tpu.memory_space<hbm>> -> memref<384x196xf32, #tpu.memory_space<hbm>>
      tpu.enqueue_dma source(%dma_start3A_158 : memref<384x196xf32, #tpu.memory_space<hbm>>) target(%arg4 : memref<384x196xf32, #tpu.memory_space<vmem>>) target_semaphore(%run_scoped3A : memref<!tpu.dma_semaphore, #tpu.memory_space<semaphore_mem>>)
      %dma_wait3A = arith.constant 0 : i32
      %dma_wait3A_159 = arith.constant 0 : i32
      %dma_wait3A_160 = tpu.memref_slice %arg2[%add3A_119, %dma_wait3A, %dma_wait3A_159] : memref<128x384x196xf32, #tpu.memory_space<hbm>> -> memref<1x384x196xf32, #tpu.memory_space<hbm>>
      %dma_wait3A_161 = tpu.memref_squeeze %dma_wait3A_160 : memref<1x384x196xf32, #tpu.memory_space<hbm>> -> memref<384x196xf32, #tpu.memory_space<hbm>>
      %dma_wait3A_162 = arith.constant 0 : i32
      %dma_wait3A_163 = arith.constant 0 : i32
      %dma_wait3A_164 = tpu.memref_slice %arg2[%add3A_119, %dma_wait3A_162, %dma_wait3A_163] : memref<128x384x196xf32, #tpu.memory_space<hbm>> -> memref<1x384x196xf32, #tpu.memory_space<hbm>>
      %dma_wait3A_165 = tpu.memref_squeeze %dma_wait3A_164 : memref<1x384x196xf32, #tpu.memory_space<hbm>> -> memref<384x196xf32, #tpu.memory_space<hbm>>
      tpu.wait_dma2 semaphore(%run_scoped3A : memref<!tpu.dma_semaphore, #tpu.memory_space<semaphore_mem>>) src(%dma_wait3A_165 : memref<384x196xf32, #tpu.memory_space<hbm>>) dst(%arg4 : memref<384x196xf32, #tpu.memory_space<vmem>>)
      tpu.yield
    }) : () -> ()
    %scan3A_120 = arith.constant 0 : i32
    %scan3A_121 = arith.constant 384 : i32
    %scan3A_122 = arith.addi %scan3A_120, %scan3A_121 : i32
    %scan3A_123 = arith.constant 1 : i32
    %scan3A_124:13 = scf.for %scan3A_152 = %scan3A_120 to %scan3A_122 step %scan3A_123 iter_args(%scan3A_153 = %broadcast_in_dim3A_3, %scan3A_154 = %broadcast_in_dim3A_3, %scan3A_155 = %broadcast_in_dim3A_3, %scan3A_156 = %broadcast_in_dim3A_3, %scan3A_157 = %broadcast_in_dim3A_3, %scan3A_158 = %broadcast_in_dim3A_3, %scan3A_159 = %broadcast_in_dim3A_3, %scan3A_160 = %broadcast_in_dim3A_3, %scan3A_161 = %broadcast_in_dim3A_3, %scan3A_162 = %broadcast_in_dim3A_3, %scan3A_163 = %broadcast_in_dim3A_3, %scan3A_164 = %broadcast_in_dim3A_3, %scan3A_165 = %broadcast_in_dim3A_3) -> (vector<16xf32>, vector<16xf32>, vector<16xf32>, vector<16xf32>, vector<16xf32>, vector<16xf32>, vector<16xf32>, vector<16xf32>, vector<16xf32>, vector<16xf32>, vector<16xf32>, vector<16xf32>, vector<16xf32>)  : i32 {
      %get3A = arith.index_cast %scan3A_152 : i32 to index
      %get3A_166 = arith.constant 0 : index
      %get3A_167 = tpu.vector_load %arg4[%get3A, %get3A_166] {strides = array<i32>} : memref<384x196xf32, #tpu.memory_space<vmem>>, vector<16xf32>,
      %mul3A_168 = arith.mulf %get3A_167, %get3A_167 : vector<16xf32>
      %add3A_169 = arith.addf %scan3A_153, %mul3A_168 : vector<16xf32>
      %get3A_170 = arith.index_cast %scan3A_152 : i32 to index
      %get3A_171 = arith.constant 16 : index
      %get3A_172 = tpu.vector_load %arg4[%get3A_170, %get3A_171] {strides = array<i32>} : memref<384x196xf32, #tpu.memory_space<vmem>>, vector<16xf32>,
      %mul3A_173 = arith.mulf %get3A_172, %get3A_172 : vector<16xf32>
      %add3A_174 = arith.addf %scan3A_154, %mul3A_173 : vector<16xf32>
      %get3A_175 = arith.index_cast %scan3A_152 : i32 to index
      %get3A_176 = arith.constant 32 : index
      %get3A_177 = tpu.vector_load %arg4[%get3A_175, %get3A_176] {strides = array<i32>} : memref<384x196xf32, #tpu.memory_space<vmem>>, vector<16xf32>,
      %mul3A_178 = arith.mulf %get3A_177, %get3A_177 : vector<16xf32>
      %add3A_179 = arith.addf %scan3A_155, %mul3A_178 : vector<16xf32>
      %get3A_180 = arith.index_cast %scan3A_152 : i32 to index
      %get3A_181 = arith.constant 48 : index
      %get3A_182 = tpu.vector_load %arg4[%get3A_180, %get3A_181] {strides = array<i32>} : memref<384x196xf32, #tpu.memory_space<vmem>>, vector<16xf32>,
      %mul3A_183 = arith.mulf %get3A_182, %get3A_182 : vector<16xf32>
      %add3A_184 = arith.addf %scan3A_156, %mul3A_183 : vector<16xf32>
      %get3A_185 = arith.index_cast %scan3A_152 : i32 to index
      %get3A_186 = arith.constant 64 : index
      %get3A_187 = tpu.vector_load %arg4[%get3A_185, %get3A_186] {strides = array<i32>} : memref<384x196xf32, #tpu.memory_space<vmem>>, vector<16xf32>,
      %mul3A_188 = arith.mulf %get3A_187, %get3A_187 : vector<16xf32>
      %add3A_189 = arith.addf %scan3A_157, %mul3A_188 : vector<16xf32>
      %get3A_190 = arith.index_cast %scan3A_152 : i32 to index
      %get3A_191 = arith.constant 80 : index
      %get3A_192 = tpu.vector_load %arg4[%get3A_190, %get3A_191] {strides = array<i32>} : memref<384x196xf32, #tpu.memory_space<vmem>>, vector<16xf32>,
      %mul3A_193 = arith.mulf %get3A_192, %get3A_192 : vector<16xf32>
      %add3A_194 = arith.addf %scan3A_158, %mul3A_193 : vector<16xf32>
      %get3A_195 = arith.index_cast %scan3A_152 : i32 to index
      %get3A_196 = arith.constant 96 : index
      %get3A_197 = tpu.vector_load %arg4[%get3A_195, %get3A_196] {strides = array<i32>} : memref<384x196xf32, #tpu.memory_space<vmem>>, vector<16xf32>,
      %mul3A_198 = arith.mulf %get3A_197, %get3A_197 : vector<16xf32>
      %add3A_199 = arith.addf %scan3A_159, %mul3A_198 : vector<16xf32>
      %get3A_200 = arith.index_cast %scan3A_152 : i32 to index
      %get3A_201 = arith.constant 112 : index
      %get3A_202 = tpu.vector_load %arg4[%get3A_200, %get3A_201] {strides = array<i32>} : memref<384x196xf32, #tpu.memory_space<vmem>>, vector<16xf32>,
      %mul3A_203 = arith.mulf %get3A_202, %get3A_202 : vector<16xf32>
      %add3A_204 = arith.addf %scan3A_160, %mul3A_203 : vector<16xf32>
      %get3A_205 = arith.index_cast %scan3A_152 : i32 to index
      %get3A_206 = arith.constant 128 : index
      %get3A_207 = tpu.vector_load %arg4[%get3A_205, %get3A_206] {strides = array<i32>} : memref<384x196xf32, #tpu.memory_space<vmem>>, vector<16xf32>,
      %mul3A_208 = arith.mulf %get3A_207, %get3A_207 : vector<16xf32>
      %add3A_209 = arith.addf %scan3A_161, %mul3A_208 : vector<16xf32>
      %get3A_210 = arith.index_cast %scan3A_152 : i32 to index
      %get3A_211 = arith.constant 144 : index
      %get3A_212 = tpu.vector_load %arg4[%get3A_210, %get3A_211] {strides = array<i32>} : memref<384x196xf32, #tpu.memory_space<vmem>>, vector<16xf32>,
      %mul3A_213 = arith.mulf %get3A_212, %get3A_212 : vector<16xf32>
      %add3A_214 = arith.addf %scan3A_162, %mul3A_213 : vector<16xf32>
      %get3A_215 = arith.index_cast %scan3A_152 : i32 to index
      %get3A_216 = arith.constant 160 : index
      %get3A_217 = tpu.vector_load %arg4[%get3A_215, %get3A_216] {strides = array<i32>} : memref<384x196xf32, #tpu.memory_space<vmem>>, vector<16xf32>,
      %mul3A_218 = arith.mulf %get3A_217, %get3A_217 : vector<16xf32>
      %add3A_219 = arith.addf %scan3A_163, %mul3A_218 : vector<16xf32>
      %get3A_220 = arith.index_cast %scan3A_152 : i32 to index
      %get3A_221 = arith.constant 176 : index
      %get3A_222 = tpu.vector_load %arg4[%get3A_220, %get3A_221] {strides = array<i32>} : memref<384x196xf32, #tpu.memory_space<vmem>>, vector<16xf32>,
      %mul3A_223 = arith.mulf %get3A_222, %get3A_222 : vector<16xf32>
      %add3A_224 = arith.addf %scan3A_164, %mul3A_223 : vector<16xf32>
      %get3A_225 = arith.index_cast %scan3A_152 : i32 to index
      %get3A_226 = arith.constant 180 : index
      %get3A_227 = tpu.vector_load %arg4[%get3A_225, %get3A_226] {strides = array<i32>} : memref<384x196xf32, #tpu.memory_space<vmem>>, vector<16xf32>,
      %mul3A_228 = arith.mulf %get3A_227, %get3A_227 : vector<16xf32>
      %jit3A = arith.constant 0.000000e+00 : f32
      %broadcast_in_dim3A_229 = vector.broadcast %jit3A : f32 to vector<16xf32>
      %select_n3A = arith.select %ge3A_2, %mul3A_228, %broadcast_in_dim3A_229 : vector<16xi1>, vector<16xf32>
      %add3A_230 = arith.addf %scan3A_165, %select_n3A : vector<16xf32>
      scf.yield %add3A_169, %add3A_174, %add3A_179, %add3A_184, %add3A_189, %add3A_194, %add3A_199, %add3A_204, %add3A_209, %add3A_214, %add3A_219, %add3A_224, %add3A_230 : vector<16xf32>, vector<16xf32>, vector<16xf32>, vector<16xf32>, vector<16xf32>, vector<16xf32>, vector<16xf32>, vector<16xf32>, vector<16xf32>, vector<16xf32>, vector<16xf32>, vector<16xf32>, vector<16xf32>
    }
    %scan3A_125 = arith.constant 384 : i32
    %swap3A_126 = arith.constant 0 : index
    %swap3A_127 = tpu.vector_load %arg5[%swap3A_126] {strides = array<i32>} : memref<256xf32, #tpu.memory_space<vmem>>, vector<16xf32>,
    tpu.vector_store %arg5[%swap3A_126], %scan3A_124#0 {strides = array<i32>} : memref<256xf32, #tpu.memory_space<vmem>>, vector<16xf32>,
    %swap3A_128 = arith.constant 16 : index
    %swap3A_129 = tpu.vector_load %arg5[%swap3A_128] {strides = array<i32>} : memref<256xf32, #tpu.memory_space<vmem>>, vector<16xf32>,
    tpu.vector_store %arg5[%swap3A_128], %scan3A_124#1 {strides = array<i32>} : memref<256xf32, #tpu.memory_space<vmem>>, vector<16xf32>,
    %swap3A_130 = arith.constant 32 : index
    %swap3A_131 = tpu.vector_load %arg5[%swap3A_130] {strides = array<i32>} : memref<256xf32, #tpu.memory_space<vmem>>, vector<16xf32>,
    tpu.vector_store %arg5[%swap3A_130], %scan3A_124#2 {strides = array<i32>} : memref<256xf32, #tpu.memory_space<vmem>>, vector<16xf32>,
    %swap3A_132 = arith.constant 48 : index
    %swap3A_133 = tpu.vector_load %arg5[%swap3A_132] {strides = array<i32>} : memref<256xf32, #tpu.memory_space<vmem>>, vector<16xf32>,
    tpu.vector_store %arg5[%swap3A_132], %scan3A_124#3 {strides = array<i32>} : memref<256xf32, #tpu.memory_space<vmem>>, vector<16xf32>,
    %swap3A_134 = arith.constant 64 : index
    %swap3A_135 = tpu.vector_load %arg5[%swap3A_134] {strides = array<i32>} : memref<256xf32, #tpu.memory_space<vmem>>, vector<16xf32>,
    tpu.vector_store %arg5[%swap3A_134], %scan3A_124#4 {strides = array<i32>} : memref<256xf32, #tpu.memory_space<vmem>>, vector<16xf32>,
    %swap3A_136 = arith.constant 80 : index
    %swap3A_137 = tpu.vector_load %arg5[%swap3A_136] {strides = array<i32>} : memref<256xf32, #tpu.memory_space<vmem>>, vector<16xf32>,
    tpu.vector_store %arg5[%swap3A_136], %scan3A_124#5 {strides = array<i32>} : memref<256xf32, #tpu.memory_space<vmem>>, vector<16xf32>,
    %swap3A_138 = arith.constant 96 : index
    %swap3A_139 = tpu.vector_load %arg5[%swap3A_138] {strides = array<i32>} : memref<256xf32, #tpu.memory_space<vmem>>, vector<16xf32>,
    tpu.vector_store %arg5[%swap3A_138], %scan3A_124#6 {strides = array<i32>} : memref<256xf32, #tpu.memory_space<vmem>>, vector<16xf32>,
    %swap3A_140 = arith.constant 112 : index
    %swap3A_141 = tpu.vector_load %arg5[%swap3A_140] {strides = array<i32>} : memref<256xf32, #tpu.memory_space<vmem>>, vector<16xf32>,
    tpu.vector_store %arg5[%swap3A_140], %scan3A_124#7 {strides = array<i32>} : memref<256xf32, #tpu.memory_space<vmem>>, vector<16xf32>,
    %swap3A_142 = arith.constant 128 : index
    %swap3A_143 = tpu.vector_load %arg5[%swap3A_142] {strides = array<i32>} : memref<256xf32, #tpu.memory_space<vmem>>, vector<16xf32>,
    tpu.vector_store %arg5[%swap3A_142], %scan3A_124#8 {strides = array<i32>} : memref<256xf32, #tpu.memory_space<vmem>>, vector<16xf32>,
    %swap3A_144 = arith.constant 144 : index
    %swap3A_145 = tpu.vector_load %arg5[%swap3A_144] {strides = array<i32>} : memref<256xf32, #tpu.memory_space<vmem>>, vector<16xf32>,
    tpu.vector_store %arg5[%swap3A_144], %scan3A_124#9 {strides = array<i32>} : memref<256xf32, #tpu.memory_space<vmem>>, vector<16xf32>,
    %swap3A_146 = arith.constant 160 : index
    %swap3A_147 = tpu.vector_load %arg5[%swap3A_146] {strides = array<i32>} : memref<256xf32, #tpu.memory_space<vmem>>, vector<16xf32>,
    tpu.vector_store %arg5[%swap3A_146], %scan3A_124#10 {strides = array<i32>} : memref<256xf32, #tpu.memory_space<vmem>>, vector<16xf32>,
    %swap3A_148 = arith.constant 176 : index
    %swap3A_149 = tpu.vector_load %arg5[%swap3A_148] {strides = array<i32>} : memref<256xf32, #tpu.memory_space<vmem>>, vector<16xf32>,
    tpu.vector_store %arg5[%swap3A_148], %scan3A_124#11 {strides = array<i32>} : memref<256xf32, #tpu.memory_space<vmem>>, vector<16xf32>,
    %swap3A_150 = arith.constant 192 : index
    %swap3A_151 = tpu.vector_load %arg5[%swap3A_150] {strides = array<i32>} : memref<256xf32, #tpu.memory_space<vmem>>, vector<16xf32>,
    tpu.vector_store %arg5[%swap3A_150], %scan3A_124#12 {strides = array<i32>} : memref<256xf32, #tpu.memory_space<vmem>>, vector<16xf32>,
    "tpu.region"() ({
      %run_scoped3A = tpu.sem_alloc : memref<!tpu.dma_semaphore, #tpu.memory_space<semaphore_mem>>
      %dma_start3A = arith.constant 0 : i32
      %dma_start3A_152 = tpu.memref_slice %arg3[%add3A_119, %dma_start3A] : memref<128x256xf32, #tpu.memory_space<hbm>> -> memref<1x256xf32, #tpu.memory_space<hbm>>
      %dma_start3A_153 = tpu.memref_squeeze %dma_start3A_152 : memref<1x256xf32, #tpu.memory_space<hbm>> -> memref<256xf32, #tpu.memory_space<hbm>>
      %dma_start3A_154 = arith.constant 0 : i32
      %dma_start3A_155 = tpu.memref_slice %arg3[%add3A_119, %dma_start3A_154] : memref<128x256xf32, #tpu.memory_space<hbm>> -> memref<1x256xf32, #tpu.memory_space<hbm>>
      %dma_start3A_156 = tpu.memref_squeeze %dma_start3A_155 : memref<1x256xf32, #tpu.memory_space<hbm>> -> memref<256xf32, #tpu.memory_space<hbm>>
      tpu.enqueue_dma source(%arg5 : memref<256xf32, #tpu.memory_space<vmem>>) target(%dma_start3A_156 : memref<256xf32, #tpu.memory_space<hbm>>) target_semaphore(%run_scoped3A : memref<!tpu.dma_semaphore, #tpu.memory_space<semaphore_mem>>)
      %dma_wait3A = arith.constant 0 : i32
      %dma_wait3A_157 = tpu.memref_slice %arg3[%add3A_119, %dma_wait3A] : memref<128x256xf32, #tpu.memory_space<hbm>> -> memref<1x256xf32, #tpu.memory_space<hbm>>
      %dma_wait3A_158 = tpu.memref_squeeze %dma_wait3A_157 : memref<1x256xf32, #tpu.memory_space<hbm>> -> memref<256xf32, #tpu.memory_space<hbm>>
      %dma_wait3A_159 = arith.constant 0 : i32
      %dma_wait3A_160 = tpu.memref_slice %arg3[%add3A_119, %dma_wait3A_159] : memref<128x256xf32, #tpu.memory_space<hbm>> -> memref<1x256xf32, #tpu.memory_space<hbm>>
      %dma_wait3A_161 = tpu.memref_squeeze %dma_wait3A_160 : memref<1x256xf32, #tpu.memory_space<hbm>> -> memref<256xf32, #tpu.memory_space<hbm>>
      tpu.wait_dma2 semaphore(%run_scoped3A : memref<!tpu.dma_semaphore, #tpu.memory_space<semaphore_mem>>) src(%arg5 : memref<256xf32, #tpu.memory_space<vmem>>) dst(%dma_wait3A_161 : memref<256xf32, #tpu.memory_space<hbm>>)
      tpu.yield
    }) : () -> ()
    return
  }
}

module attributes {stable_mosaic.version = 14 : i64} {
  func.func @_m2_body(%arg0: i32, %arg1: memref<8x384x196xf32, #tpu.memory_space<vmem>>, %arg2: memref<8x196xf32, #tpu.memory_space<vmem>>) attributes {dimension_semantics = [#tpu.dimension_semantics<arbitrary>], iteration_bounds = array<i64: 16>, scalar_prefetch = 0 : i64, scratch_operands = 0 : i64, tpu.core_type = #tpu.core_type<tc>, window_params = [{transform_indices = @transform_0, window_bounds = array<i64: 8, 384, 196>}, {transform_indices = @transform_1, window_bounds = array<i64: 8, 196>}]} {
    %get3A = arith.constant 0 : index
    %get3A_0 = arith.constant 0 : index
    %get3A_1 = arith.constant 0 : index
    %get3A_2 = vector.load %arg1[%get3A, %get3A_0, %get3A_1] : memref<8x384x196xf32, #tpu.memory_space<vmem>>, vector<8x384x196xf32>
    %mul3A = arith.mulf %get3A_2, %get3A_2 : vector<8x384x196xf32>
    %reduce_sum3A = arith.constant dense<0.000000e+00> : vector<8x196xf32>
    %reduce_sum3A_3 = vector.multi_reduction <add>, %mul3A, %reduce_sum3A [1] : vector<8x384x196xf32> to vector<8x196xf32>
    %mul3A_4 = arith.constant 0.00260416674 : f32
    %mul3A_5 = vector.broadcast %mul3A_4 : f32 to vector<8x196xf32>
    %mul3A_6 = arith.mulf %reduce_sum3A_3, %mul3A_5 : vector<8x196xf32>
    %swap3A = arith.constant 0 : index
    %swap3A_7 = arith.constant 0 : index
    %swap3A_8 = vector.load %arg2[%swap3A, %swap3A_7] : memref<8x196xf32, #tpu.memory_space<vmem>>, vector<8x196xf32>
    tpu.vector_store %arg2[%swap3A, %swap3A_7], %mul3A_6 {strides = array<i32>} : memref<8x196xf32, #tpu.memory_space<vmem>>, vector<8x196xf32>,
    return
  }
  func.func @transform_0(%arg0: i32) -> (i32, i32, i32) {
    %c0_i32 = arith.constant 0 : i32
    %c0_i32_0 = arith.constant 0 : i32
    %c0_i32_1 = arith.constant 0 : i32
    return %arg0, %c0_i32, %c0_i32_0 : i32, i32, i32
  }
  func.func @transform_1(%arg0: i32) -> (i32, i32) {
    %c0_i32 = arith.constant 0 : i32
    %c0_i32_0 = arith.constant 0 : i32
    return %arg0, %c0_i32 : i32, i32
  }
}

module attributes {stable_mosaic.version = 14 : i64} {
  func.func @_fin_body(%arg0: memref<128x256xf32, #tpu.memory_space<vmem>>, %arg1: memref<128x196xf32, #tpu.memory_space<vmem>>, %arg2: memref<128x1024xf32, #tpu.memory_space<vmem>>, %arg3: memref<128x1024xf32, #tpu.memory_space<vmem>>, %arg4: memref<128x1xf32, #tpu.memory_space<vmem>>, %arg5: memref<128x1xf32, #tpu.memory_space<vmem>>, %arg6: memref<2xf32, #tpu.memory_space<smem>>, %arg7: memref<1x1xf32, #tpu.memory_space<vmem>>, %arg8: memref<1x2xf32, #tpu.memory_space<vmem>>) attributes {dimension_semantics = [], scalar_prefetch = 0 : i64, scratch_operands = 0 : i64, tpu.core_type = #tpu.core_type<tc>} {
    %get3A = arith.constant 0 : index
    %get3A_0 = arith.constant 0 : index
    %get3A_1 = vector.load %arg4[%get3A, %get3A_0] : memref<128x1xf32, #tpu.memory_space<vmem>>, vector<128x1xf32>
    %get3A_2 = arith.constant 0 : index
    %get3A_3 = arith.constant 0 : index
    %get3A_4 = vector.load %arg5[%get3A_2, %get3A_3] : memref<128x1xf32, #tpu.memory_space<vmem>>, vector<128x1xf32>
    %sub3A = arith.subf %get3A_1, %get3A_4 : vector<128x1xf32>
    %abs3A = math.absf %sub3A : vector<128x1xf32>
    %reduce_sum3A = vector.shape_cast %abs3A : vector<128x1xf32> to vector<1x128x1xf32>
    %reduce_sum3A_5 = arith.constant dense<0.000000e+00> : vector<1xf32>
    %reduce_sum3A_6 = vector.multi_reduction <add>, %reduce_sum3A, %reduce_sum3A_5 [1, 2] : vector<1x128x1xf32> to vector<1xf32>
    %reduce_sum3A_7 = vector.shape_cast %reduce_sum3A_6 : vector<1xf32> to vector<1x1x1xf32>
    %reduce_sum3A_8 = vector.extract %reduce_sum3A_7[0, 0, 0] : f32 from vector<1x1x1xf32>
    %mul3A = arith.constant 7.812500e-03 : f32
    %mul3A_9 = arith.mulf %reduce_sum3A_8, %mul3A : f32
    %sub3A_10 = arith.constant 1.000000e+02 : f32
    %sub3A_11 = arith.subf %sub3A_10, %mul3A_9 : f32
    %mul3A_12 = arith.constant 3.000000e-01 : f32
    %mul3A_13 = arith.mulf %sub3A_11, %mul3A_12 : f32
    %sub3A_14 = arith.constant 1.000000e+02 : f32
    %sub3A_15 = arith.subf %sub3A_14, %mul3A_13 : f32
    %mul3A_16 = arith.constant 3.000000e-01 : f32
    %mul3A_17 = arith.mulf %mul3A_9, %mul3A_16 : f32
    %lt3A = vector.broadcast %mul3A_17 : f32 to vector<128x1xf32>
    %lt3A_18 = arith.cmpf olt, %abs3A, %lt3A : vector<128x1xf32>
    %gt3A = vector.broadcast %sub3A_15 : f32 to vector<128x1xf32>
    %gt3A_19 = arith.cmpf ogt, %abs3A, %gt3A : vector<128x1xf32>
    %or3A = arith.ori %lt3A_18, %gt3A_19 : vector<128x1xi1>
    %jit3A = arith.constant 0.000000e+00 : f32
    %broadcast_in_dim3A = vector.broadcast %jit3A : f32 to vector<128x1xf32>
    %select_n3A = arith.select %or3A, %broadcast_in_dim3A, %get3A_1 : vector<128x1xi1>, vector<128x1xf32>
    %jit3A_20 = arith.constant 0.000000e+00 : f32
    %broadcast_in_dim3A_21 = vector.broadcast %jit3A_20 : f32 to vector<128x1xf32>
    %select_n3A_22 = arith.select %or3A, %broadcast_in_dim3A_21, %get3A_4 : vector<128x1xi1>, vector<128x1xf32>
    %gt3A_23 = arith.cmpf ogt, %select_n3A, %select_n3A_22 : vector<128x1xf32>
    %ne3A = arith.cmpf one, %select_n3A, %select_n3A_22 : vector<128x1xf32>
    %convert_element_type3A = arith.extui %ne3A : vector<128x1xi1> to vector<128x1xi32>
    %convert_element_type3A_24 = arith.sitofp %convert_element_type3A : vector<128x1xi32> to vector<128x1xf32>
    %reduce_sum3A_25 = vector.shape_cast %convert_element_type3A_24 : vector<128x1xf32> to vector<1x128x1xf32>
    %reduce_sum3A_26 = arith.constant dense<0.000000e+00> : vector<1xf32>
    %reduce_sum3A_27 = vector.multi_reduction <add>, %reduce_sum3A_25, %reduce_sum3A_26 [1, 2] : vector<1x128x1xf32> to vector<1xf32>
    %reduce_sum3A_28 = vector.shape_cast %reduce_sum3A_27 : vector<1xf32> to vector<1x1x1xf32>
    %reduce_sum3A_29 = vector.extract %reduce_sum3A_28[0, 0, 0] : f32 from vector<1x1x1xf32>
    %reduce_sum3A_30 = vector.shape_cast %select_n3A : vector<128x1xf32> to vector<1x128x1xf32>
    %reduce_sum3A_31 = arith.constant dense<0.000000e+00> : vector<1xf32>
    %reduce_sum3A_32 = vector.multi_reduction <add>, %reduce_sum3A_30, %reduce_sum3A_31 [1, 2] : vector<1x128x1xf32> to vector<1xf32>
    %reduce_sum3A_33 = vector.shape_cast %reduce_sum3A_32 : vector<1xf32> to vector<1x1x1xf32>
    %reduce_sum3A_34 = vector.extract %reduce_sum3A_33[0, 0, 0] : f32 from vector<1x1x1xf32>
    %get3A_35 = arith.constant 0 : index
    %get3A_36 = arith.constant 0 : index
    %get3A_37 = vector.load %arg0[%get3A_35, %get3A_36] : memref<128x256xf32, #tpu.memory_space<vmem>>, vector<128x256xf32>
    %slice3A = vector.extract_strided_slice %get3A_37 {offsets = [0, 0], sizes = [128, 192], strides = [1, 1]} : vector<128x256xf32> to vector<128x192xf32>
    %slice3A_38 = vector.extract_strided_slice %get3A_37 {offsets = [0, 204], sizes = [128, 4], strides = [1, 1]} : vector<128x256xf32> to vector<128x4xf32>
    %concatenate3A = tpu.concatenate %slice3A, %slice3A_38 in 1 : vector<128x192xf32>, vector<128x4xf32> -> vector<128x196xf32>
    %mul3A_39 = arith.constant 0.00260416674 : f32
    %mul3A_40 = vector.broadcast %mul3A_39 : f32 to vector<128x196xf32>
    %mul3A_41 = arith.mulf %concatenate3A, %mul3A_40 : vector<128x196xf32>
    %get3A_42 = arith.constant 0 : index
    %get3A_43 = arith.constant 0 : index
    %get3A_44 = vector.load %arg1[%get3A_42, %get3A_43] : memref<128x196xf32, #tpu.memory_space<vmem>>, vector<128x196xf32>
    %sub3A_45 = arith.subf %mul3A_41, %get3A_44 : vector<128x196xf32>
    %mul3A_46 = arith.mulf %sub3A_45, %sub3A_45 : vector<128x196xf32>
    %reduce_sum3A_47 = arith.constant dense<0.000000e+00> : vector<128xf32>
    %reduce_sum3A_48 = vector.multi_reduction <add>, %mul3A_46, %reduce_sum3A_47 [1] : vector<128x196xf32> to vector<128xf32>
    %broadcast_in_dim3A_49 = vector.shape_cast %reduce_sum3A_48 : vector<128xf32> to vector<128x1xf32>
    %reduce_max3A = arith.constant dense<0xFF800000> : vector<128xf32>
    %reduce_max3A_50 = vector.multi_reduction <maximumf>, %mul3A_41, %reduce_max3A [1] : vector<128x196xf32> to vector<128xf32>
    %broadcast_in_dim3A_51 = vector.shape_cast %reduce_max3A_50 : vector<128xf32> to vector<128x1xf32>
    %reduce_min3A = arith.constant dense<0x7F800000> : vector<128xf32>
    %reduce_min3A_52 = vector.multi_reduction <minimumf>, %mul3A_41, %reduce_min3A [1] : vector<128x196xf32> to vector<128xf32>
    %broadcast_in_dim3A_53 = vector.shape_cast %reduce_min3A_52 : vector<128xf32> to vector<128x1xf32>
    %reduce_max3A_54 = arith.constant dense<0xFF800000> : vector<128xf32>
    %reduce_max3A_55 = vector.multi_reduction <maximumf>, %get3A_44, %reduce_max3A_54 [1] : vector<128x196xf32> to vector<128xf32>
    %broadcast_in_dim3A_56 = vector.shape_cast %reduce_max3A_55 : vector<128xf32> to vector<128x1xf32>
    %reduce_min3A_57 = arith.constant dense<0x7F800000> : vector<128xf32>
    %reduce_min3A_58 = vector.multi_reduction <minimumf>, %get3A_44, %reduce_min3A_57 [1] : vector<128x196xf32> to vector<128xf32>
    %broadcast_in_dim3A_59 = vector.shape_cast %reduce_min3A_58 : vector<128xf32> to vector<128x1xf32>
    %select_n3A_60 = arith.select %gt3A_23, %broadcast_in_dim3A_56, %broadcast_in_dim3A_51 : vector<128x1xi1>, vector<128x1xf32>
    %select_n3A_61 = arith.select %gt3A_23, %broadcast_in_dim3A_59, %broadcast_in_dim3A_53 : vector<128x1xi1>, vector<128x1xf32>
    %jit3A_62 = arith.constant 0.000000e+00 : f32
    %broadcast_in_dim3A_63 = vector.broadcast %jit3A_62 : f32 to vector<128x1xf32>
    %select_n3A_64 = arith.select %ne3A, %broadcast_in_dim3A_49, %broadcast_in_dim3A_63 : vector<128x1xi1>, vector<128x1xf32>
    %reduce_sum3A_65 = vector.shape_cast %select_n3A_64 : vector<128x1xf32> to vector<1x128x1xf32>
    %reduce_sum3A_66 = arith.constant dense<0.000000e+00> : vector<1xf32>
    %reduce_sum3A_67 = vector.multi_reduction <add>, %reduce_sum3A_65, %reduce_sum3A_66 [1, 2] : vector<1x128x1xf32> to vector<1xf32>
    %reduce_sum3A_68 = vector.shape_cast %reduce_sum3A_67 : vector<1xf32> to vector<1x1x1xf32>
    %reduce_sum3A_69 = vector.extract %reduce_sum3A_68[0, 0, 0] : f32 from vector<1x1x1xf32>
    %jit3A_70 = arith.constant 0xFF800000 : f32
    %broadcast_in_dim3A_71 = vector.broadcast %jit3A_70 : f32 to vector<128x1xf32>
    %select_n3A_72 = arith.select %ne3A, %select_n3A_60, %broadcast_in_dim3A_71 : vector<128x1xi1>, vector<128x1xf32>
    %reduce_max3A_73 = vector.shape_cast %select_n3A_72 : vector<128x1xf32> to vector<1x128x1xf32>
    %reduce_max3A_74 = arith.constant dense<0xFF800000> : vector<1xf32>
    %reduce_max3A_75 = vector.multi_reduction <maximumf>, %reduce_max3A_73, %reduce_max3A_74 [1, 2] : vector<1x128x1xf32> to vector<1xf32>
    %reduce_max3A_76 = vector.shape_cast %reduce_max3A_75 : vector<1xf32> to vector<1x1x1xf32>
    %reduce_max3A_77 = vector.extract %reduce_max3A_76[0, 0, 0] : f32 from vector<1x1x1xf32>
    %jit3A_78 = arith.constant 0x7F800000 : f32
    %broadcast_in_dim3A_79 = vector.broadcast %jit3A_78 : f32 to vector<128x1xf32>
    %select_n3A_80 = arith.select %ne3A, %select_n3A_61, %broadcast_in_dim3A_79 : vector<128x1xi1>, vector<128x1xf32>
    %reduce_min3A_81 = vector.shape_cast %select_n3A_80 : vector<128x1xf32> to vector<1x128x1xf32>
    %reduce_min3A_82 = arith.constant dense<0x7F800000> : vector<1xf32>
    %reduce_min3A_83 = vector.multi_reduction <minimumf>, %reduce_min3A_81, %reduce_min3A_82 [1, 2] : vector<1x128x1xf32> to vector<1xf32>
    %reduce_min3A_84 = vector.shape_cast %reduce_min3A_83 : vector<1xf32> to vector<1x1x1xf32>
    %reduce_min3A_85 = vector.extract %reduce_min3A_84[0, 0, 0] : f32 from vector<1x1x1xf32>
    %get3A_86 = arith.constant 0 : index
    %get3A_87 = arith.constant 0 : index
    %get3A_88 = vector.load %arg2[%get3A_86, %get3A_87] : memref<128x1024xf32, #tpu.memory_space<vmem>>, vector<128x1024xf32>
    %get3A_89 = arith.constant 0 : index
    %get3A_90 = arith.constant 0 : index
    %get3A_91 = vector.load %arg3[%get3A_89, %get3A_90] : memref<128x1024xf32, #tpu.memory_space<vmem>>, vector<128x1024xf32>
    %mul3A_92 = arith.mulf %get3A_88, %get3A_91 : vector<128x1024xf32>
    %reduce_sum3A_93 = arith.constant dense<0.000000e+00> : vector<128xf32>
    %reduce_sum3A_94 = vector.multi_reduction <add>, %mul3A_92, %reduce_sum3A_93 [1] : vector<128x1024xf32> to vector<128xf32>
    %broadcast_in_dim3A_95 = vector.shape_cast %reduce_sum3A_94 : vector<128xf32> to vector<128x1xf32>
    %mul3A_96 = arith.mulf %get3A_88, %get3A_88 : vector<128x1024xf32>
    %reduce_sum3A_97 = arith.constant dense<0.000000e+00> : vector<128xf32>
    %reduce_sum3A_98 = vector.multi_reduction <add>, %mul3A_96, %reduce_sum3A_97 [1] : vector<128x1024xf32> to vector<128xf32>
    %broadcast_in_dim3A_99 = vector.shape_cast %reduce_sum3A_98 : vector<128xf32> to vector<128x1xf32>
    %sqrt3A = math.sqrt %broadcast_in_dim3A_99 : vector<128x1xf32>
    %mul3A_100 = arith.mulf %get3A_91, %get3A_91 : vector<128x1024xf32>
    %reduce_sum3A_101 = arith.constant dense<0.000000e+00> : vector<128xf32>
    %reduce_sum3A_102 = vector.multi_reduction <add>, %mul3A_100, %reduce_sum3A_101 [1] : vector<128x1024xf32> to vector<128xf32>
    %broadcast_in_dim3A_103 = vector.shape_cast %reduce_sum3A_102 : vector<128xf32> to vector<128x1xf32>
    %sqrt3A_104 = math.sqrt %broadcast_in_dim3A_103 : vector<128x1xf32>
    %max3A = arith.constant 9.99999997E-7 : f32
    %max3A_105 = vector.broadcast %max3A : f32 to vector<128x1xf32>
    %max3A_106 = arith.maximumf %sqrt3A, %max3A_105 : vector<128x1xf32>
    %max3A_107 = arith.constant 9.99999997E-7 : f32
    %max3A_108 = vector.broadcast %max3A_107 : f32 to vector<128x1xf32>
    %max3A_109 = arith.maximumf %sqrt3A_104, %max3A_108 : vector<128x1xf32>
    %mul3A_110 = arith.mulf %max3A_106, %max3A_109 : vector<128x1xf32>
    %div3A = arith.divf %broadcast_in_dim3A_95, %mul3A_110 : vector<128x1xf32>
    %sub3A_111 = arith.constant 1.000000e+00 : f32
    %sub3A_112 = vector.broadcast %sub3A_111 : f32 to vector<128x1xf32>
    %sub3A_113 = arith.subf %sub3A_112, %div3A : vector<128x1xf32>
    %jit3A_114 = arith.constant 0.000000e+00 : f32
    %broadcast_in_dim3A_115 = vector.broadcast %jit3A_114 : f32 to vector<128x1xf32>
    %select_n3A_116 = arith.select %ne3A, %sub3A_113, %broadcast_in_dim3A_115 : vector<128x1xi1>, vector<128x1xf32>
    %reduce_sum3A_117 = vector.shape_cast %select_n3A_116 : vector<128x1xf32> to vector<1x128x1xf32>
    %reduce_sum3A_118 = arith.constant dense<0.000000e+00> : vector<1xf32>
    %reduce_sum3A_119 = vector.multi_reduction <add>, %reduce_sum3A_117, %reduce_sum3A_118 [1, 2] : vector<1x128x1xf32> to vector<1xf32>
    %reduce_sum3A_120 = vector.shape_cast %reduce_sum3A_119 : vector<1xf32> to vector<1x1x1xf32>
    %reduce_sum3A_121 = vector.extract %reduce_sum3A_120[0, 0, 0] : f32 from vector<1x1x1xf32>
    %mul3A_122 = arith.constant 1.960000e+02 : f32
    %mul3A_123 = arith.mulf %reduce_sum3A_29, %mul3A_122 : f32
    %div3A_124 = arith.divf %reduce_sum3A_69, %mul3A_123 : f32
    %sub3A_125 = arith.subf %reduce_max3A_77, %reduce_min3A_85 : f32
    %div3A_126 = arith.constant 2.000000e+00 : f32
    %div3A_127 = arith.divf %div3A_126, %sub3A_125 : f32
    %mul3A_128 = arith.mulf %div3A_127, %div3A_124 : f32
    %div3A_129 = arith.divf %reduce_sum3A_121, %reduce_sum3A_29 : f32
    %get3A_130 = arith.constant 0 : index
    %get3A_131 = memref.load %arg6[%get3A_130] : memref<2xf32, #tpu.memory_space<smem>>
    %get3A_132 = arith.constant 1 : index
    %get3A_133 = memref.load %arg6[%get3A_132] : memref<2xf32, #tpu.memory_space<smem>>
    %mul3A_134 = arith.mulf %mul3A_128, %get3A_131 : f32
    %mul3A_135 = arith.mulf %div3A_129, %get3A_133 : f32
    %add3A = arith.addf %mul3A_134, %mul3A_135 : f32
    %eq3A = arith.constant 0.000000e+00 : f32
    %eq3A_136 = arith.cmpf oeq, %reduce_sum3A_34, %eq3A : f32
    %jit3A_137 = arith.constant 0.000000e+00 : f32
    %select_n3A_138 = arith.select %eq3A_136, %jit3A_137, %add3A : f32
    %jit3A_139 = arith.constant 0.000000e+00 : f32
    %select_n3A_140 = arith.select %eq3A_136, %jit3A_139, %mul3A_134 : f32
    %jit3A_141 = arith.constant 0.000000e+00 : f32
    %select_n3A_142 = arith.select %eq3A_136, %jit3A_141, %mul3A_135 : f32
    %broadcast_in_dim3A_143 = vector.broadcast %select_n3A_138 : f32 to vector<1x1xf32>
    %swap3A = arith.constant 0 : index
    %swap3A_144 = arith.constant 0 : index
    %swap3A_145 = vector.load %arg7[%swap3A, %swap3A_144] : memref<1x1xf32, #tpu.memory_space<vmem>>, vector<1x1xf32>
    tpu.vector_store %arg7[%swap3A, %swap3A_144], %broadcast_in_dim3A_143 {strides = array<i32>} : memref<1x1xf32, #tpu.memory_space<vmem>>, vector<1x1xf32>,
    %broadcast_in_dim3A_146 = vector.broadcast %select_n3A_140 : f32 to vector<1x1xf32>
    %broadcast_in_dim3A_147 = vector.broadcast %select_n3A_142 : f32 to vector<1x1xf32>
    %concatenate3A_148 = tpu.concatenate %broadcast_in_dim3A_146, %broadcast_in_dim3A_147 in 1 : vector<1x1xf32>, vector<1x1xf32> -> vector<1x2xf32>
    %swap3A_149 = arith.constant 0 : index
    %swap3A_150 = arith.constant 0 : index
    %swap3A_151 = vector.load %arg8[%swap3A_149, %swap3A_150] : memref<1x2xf32, #tpu.memory_space<vmem>>, vector<1x2xf32>
    tpu.vector_store %arg8[%swap3A_149, %swap3A_150], %concatenate3A_148 {strides = array<i32>} : memref<1x2xf32, #tpu.memory_space<vmem>>, vector<1x2xf32>,
    return
  }
}

</mosaic_0001>

<sc_bundles>
// kernel: _qsd_loss.5.cloned.1.call-start
scs
__scs_entry_jumppad:
0x0: {  	(pc) =	sbr.rel $0x88, $3  }
0x1: {  	(tag) =	ssettag $0x0;
	lr =	simm.s32 $0x1  }
0x2: {  	[smem:$0x3F9A] =	sst lr;
	_ =	strace $0xD0000000  }
0x3: {  	_ = 	snop  }
0x4: {  	_ = 	snop  }
0x5: {  	_ = 	snop  }
0x6: {  	_ = 	snop  }
0x7: {  	_ = 	snop  }
__scs_overlays_trampoline_lowered:
0x8: {  	[smem:$0x3FA9] =	sst s0  }
0x9: {  	[smem:$0x3FAA] =	sst s1  }
0xa: {  	[smem:$0x3FAB] =	sst s2  }
0xb: {  	[smem:$0x3FAC] =	sst s3  }
0xc: {  	[smem:$0x3FAD] =	sst s4  }
0xd: {  	[smem:$0x3FAE] =	sst s5  }
0xe: {  	[smem:$0x3FAF] =	sst s6  }
0xf: {  	[smem:$0x3FB0] =	sst s7  }
0x10: {  	[smem:$0x3FB1] =	sst s8  }
0x11: {  	[smem:$0x3FB2] =	sst s9;
	s0 =	simm.s32 @!p0 $0x0  }
0x12: {  	s1 =	sld [smem:$0x3F98];
	s0 =	simm.s32 @p0 $0x1  }
0x13: {  	[smem:$0x3FB3] =	sst s0;
	s0 =	simm.s32 @!p1 $0x0  }
0x14: {  	s2 =	sld [smem:$0x3F97];
	s0 =	simm.s32 @p1 $0x1  }
0x15: {  	[smem:$0x3FB4] =	sst s0;
	s0 =	simm.s32 @!p2 $0x0  }
0x16: {  	s3 =	sld [smem:$0x3FDB];
	s0 =	simm.s32 @p2 $0x1  }
0x17: {  	s4 =	simm.s32 $0x1BF5;
	[smem:$0x3FB6] =	sst s0  }
0x18: {  	s0 =	sld [smem:$0x3F99];
	_ =	swait.ge [sflag:s4], $0x0  }
0x19: {  	s7 =	sld [smem:$0x3F9A]  }
0x1a: {  	s8 =	sadd.s32 $0xFFFFE003, lr  }
0x1b: {  	s9 =	sadd.s32 $0xFFFFFEF7, lr;
	s5 =	simm.s32 $0xFFFFFFFF;
	p2 =	slt.u32 s8, $0xFFFFF086  }
0x1c: {  	p1 =	slt.u32 s9, $0xF7A;
	s5 =	simm.s32 @!p2 $0x0  }
0x1d: {  	s5 =	simm.s32 @p1 $0x1;
	p0 =	seq.s32 s7, s2  }
0x1e: {  	s7 =	smul.u32 @!p0 $0xF7A, s2;
	p2 =	seq.s32 @!p0 s5, $0x0  }
0x1f: {  	s9 =	smul.u32 $0xF7A, s1;
	s8 =	simm.s32 @!p0 $0x1BF5;
	p2 =	por !p2, p0  }
0x20: {  	[sflag:s8] =	ssyncset.s32 @!p0 $0xFFFFF086;
	s6 =	sadd.s32 @!p0 s3, s7;
	s7 =	simm.s32 @!p0 $0x108  }
0x21: {  	s3 =	sadd.s32 s3, s9;
	s6 =	sadd.s32 @!p0 $0x88, s6;
	s7 =	simm.s32 @p2 $0x1082  }
0x22: {  	[simem:s7], [sflag:s8] =	dma.local @!p0 [hbm:s6], $0xF7A  }
0x23: {  	s9 =	sor.u32 $0xD0000000, s2;
	s6 =	simm.s32 $0x108;
	_ =	swait.ge @!p0 [sflag:s8], $0x0  }
0x24: {  	s3 =	sadd.s32 $0x88, s3;
	s6 =	simm.s32 @!p1 $0x1082;
	[sflag:s4] =	ssyncset.s32 $0xFFFFF086  }
0x25: {  	[simem:s6], [sflag:s4] =	dma.local [hbm:s3], $0xF7A  }
0x26: {  	[smem:$0x3F9A] =	sst s1;
	(tag) =	ssettag s2;
	_ =	strace s9  }
0x27: {  	s1 =	sld [smem:$0x3FAA]  }
0x28: {  	s2 =	sld [smem:$0x3FAB]  }
0x29: {  	s4 =	sld [smem:$0x3FAD]  }
0x2a: {  	p0 =	seq.s32 s5, $0x0;
	s5 =	sld [smem:$0x3FAE]  }
0x2b: {  	s6 =	sld [smem:$0x3FAF]  }
0x2c: {  	s7 =	sld [smem:$0x3FB0]  }
0x2d: {  	s3 =	simm.s32 $0x108;
	s8 =	sld [smem:$0x3FB1]  }
0x2e: {  	s3 =	simm.s32 @!p0 $0x1082;
	s9 =	sld [smem:$0x3FB2]  }
0x2f: {  	lr =	sadd.s32 s0, s3;
	s0 =	sld [smem:$0x3FA9]  }
0x30: {  	s3 =	sld [smem:$0x3FAC]  }
0x31: {  	[smem:$0x3FB5] =	sst s10  }
0x32: {  	s10 =	sld [smem:$0x3FB3];
	_ =	sdelay $0x3  }
0x33: {  	p0 =	seq.s32 s10, $0x1;
	s10 =	sld [smem:$0x3FB5];
	_ =	sdelay $0x3  }
0x34: {  	[smem:$0x3FB5] =	sst s10  }
0x35: {  	s10 =	sld [smem:$0x3FB4];
	_ =	sdelay $0x3  }
0x36: {  	p1 =	seq.s32 s10, $0x1;
	s10 =	sld [smem:$0x3FB5];
	_ =	sdelay $0x3  }
0x37: {  	[smem:$0x3FB5] =	sst s10  }
0x38: {  	s10 =	sld [smem:$0x3FB6]  }
0x39: {  	_ = 	snop;
	(pc) =	sbr.ind lr, $3  }
0x3a: {  	_ = 	snop  }
0x3b: {  	_ = 	snop  }
0x3c: {  	p2 =	seq.s32 s10, $0x1;
	s10 =	sld [smem:$0x3FB5]  }
0x3d: {  	_ =	shalt  }
0x3e: {  	_ =	shalt  }
0x3f: {  	_ =	shalt  }
0x40: {  	_ =	shalt  }
0x41: {  	_ =	shalt  }
0x42: {  	_ =	shalt  }
0x43: {  	_ =	shalt  }
0x44: {  	_ =	shalt  }
0x45: {  	_ =	shalt  }
0x46: {  	_ =	shalt  }
0x47: {  	_ =	shalt  }
0x48: {  	_ =	shalt  }
0x49: {  	_ =	shalt  }
0x4a: {  	_ =	shalt  }
0x4b: {  	_ =	shalt  }
0x4c: {  	_ =	shalt  }
0x4d: {  	_ =	shalt  }
0x4e: {  	_ =	shalt  }
0x4f: {  	_ =	shalt  }
0x50: {  	_ =	shalt  }
0x51: {  	_ =	shalt  }
0x52: {  	_ =	shalt  }
0x53: {  	_ =	shalt  }
0x54: {  	_ =	shalt  }
0x55: {  	_ =	shalt  }
0x56: {  	_ =	shalt  }
0x57: {  	_ =	shalt  }
0x58: {  	_ =	shalt  }
0x59: {  	_ =	shalt  }
0x5a: {  	_ =	shalt  }
0x5b: {  	_ =	shalt  }
0x5c: {  	_ =	shalt  }
0x5d: {  	_ =	shalt  }
0x5e: {  	_ =	shalt  }
0x5f: {  	_ =	shalt  }
0x60: {  	_ =	shalt  }
0x61: {  	_ =	shalt  }
0x62: {  	_ =	shalt  }
0x63: {  	_ =	shalt  }
0x64: {  	_ =	shalt  }
0x65: {  	_ =	shalt  }
0x66: {  	_ =	shalt  }
0x67: {  	_ =	shalt  }
0x68: {  	_ =	shalt  }
0x69: {  	_ =	shalt  }
0x6a: {  	_ =	shalt  }
0x6b: {  	_ =	shalt  }
0x6c: {  	_ =	shalt  }
0x6d: {  	_ =	shalt  }
0x6e: {  	_ =	shalt  }
0x6f: {  	_ =	shalt  }
0x70: {  	_ =	shalt  }
0x71: {  	_ =	shalt  }
0x72: {  	_ =	shalt  }
0x73: {  	_ =	shalt  }
0x74: {  	_ =	shalt  }
0x75: {  	_ =	shalt  }
0x76: {  	_ =	shalt  }
0x77: {  	_ =	shalt  }
0x78: {  	_ =	shalt  }
0x79: {  	_ =	shalt  }
0x7a: {  	_ =	shalt  }
0x7b: {  	_ =	shalt  }
0x7c: {  	_ =	shalt  }
0x7d: {  	_ =	shalt  }
0x7e: {  	_ =	shalt  }
0x7f: {  	_ =	shalt  }
0x80: {  	_ =	shalt  }
0x81: {  	_ =	shalt  }
0x82: {  	_ =	shalt  }
0x83: {  	_ =	shalt  }
0x84: {  	_ =	shalt  }
0x85: {  	_ =	shalt  }
0x86: {  	_ =	shalt  }
0x87: {  	_ =	shalt  }
.Lfunc_end0:
.L_simem_size_0:
called_computation_lowered:
.L_overlay_start_0:
0x88: {  	s2 =	sld [smem:$0x3FD9]  }
0x89: {  	s3 =	sld [smem:$0x3FFE];
	_ =	sdelay $0x1  }
0x8a: {  	s1 =	srdreg.scid  }
0x8b: {  	s0 =	sand.u32 $0x1, s1  }
0x8c: {  	s16 =	sshll.u32 s0, $0xA;
	s2 =	sadd.s32 s3, s2  }
0x8d: {  	s2 =	sadd.s32 s2, s16  }
0x8e: {  	[smem:$0x3FC1] =	sst s2  }
0x8f: {  	_ = 	snop  }
0x90: {  	(tm) =	ssettm $0x1  }
0x91: {  	s17 =	sld [smem:$0x3FFB];
	_ =	sdelay $0x3  }
0x92: {  	_ =	strace s17  }
0x93: {  	s2 =	sld [smem:$0x3FFC];
	_ =	sdelay $0x3  }
0x94: {  	_ =	strace s2  }
0x95: {  	s2 =	sld [smem:$0x3FFD];
	_ =	sdelay $0x3  }
0x96: {  	_ =	strace s2  }
0x97: {  	_ =	strace $0x8FFFFFFF  }
0x98: {  	s18 =	sld [smem:$0x3FDB];
	_ =	sdelay $0x1  }
0x99: {  	s19 =	simm.s32 $_scs_section_size  }
0x9a: {  	s4 =	simm.s32 $_size__tile_overlayer_lowered;
	s5 =	simm.s32 $_tile_overlayer_lowered  }
0x9b: {  	s22 =	simm.s32 $0x1BFF;
	s21 =	sshll.u32 s5, $0x1;
	s2 =	sadd.s32 s19, s18  }
0x9c: {  	s6 =	simm.s32 $0x0;
	s20 =	sshll.u32 s4, $0x1;
	s4 =	sadd.s32 s21, s2  }
0x9d: {  	[timem:s6], [sflag:s22] =	dma.local [hbm:s4], s20  }
0x9e: {  	_ =	swait.ge [sflag:s22], s20  }
0x9f: {  	s3 =	ssub.s32 $0x0, s20;
	[sflag:s22] =	ssyncset.done $0x0  }
0xa0: {  	[sflag:s22] =	ssyncadd.s32 s3;
	_ =	sdelay $0x1  }
0xa1: {  	s23 =	simm.s32 $0x1B8B  }
0xa2: {  	_ =	swait.ge [sflag:s23], $0x1  }
0xa3: {  	[sflag:s23] =	ssyncset.done $0x0  }
0xa4: {  	s25 =	simm.s32 $0x1B8E;
	s24 =	sld [smem:$0x3FFE];
	[sflag:s23] =	ssyncadd.s32 $0xFFFFFFFF  }
0xa5: {  	s26 =	simm.s32 $execute0_lowered;
	[smem:$0x3FD2] =	sst s25  }
0xa6: {  	s4 =	sshll.u32 s26, $0x1;
	_ =	strace $0x80000046;
	[dreg:$0x1] =	wrdreg $0xFFFFFFFF  }
0xa7: {  	s28 =	simm.s32 $_size_execute0_lowered;
	s2 =	sadd.s32 s2, s4;
	[dreg:$0x0] =	wrdreg $0x0  }
0xa8: {  	s4 =	sshll.u32 s28, $0x1;
	[dreg:$0x2] =	wrdreg s2  }
0xa9: {  	[dreg:$0x3] =	wrdreg s4  }
0xaa: {  	[dreg:$0x4] =	wrdreg $0xC0  }
0xab: {  	_ =	task [dreg:s6], $0x5FFFF  }
0xac: {  	[dreg:$0x1] =	wrdreg $0xFFFFFFFF  }
0xad: {  	[dreg:$0x0] =	wrdreg $0x60  }
0xae: {  	[dreg:$0x2] =	wrdreg s24  }
0xaf: {  	[dreg:$0x3] =	wrdreg $0x9  }
0xb0: {  	_ =	task.clear_ibuf [dreg:s6], $0x4FFFF;
	_ =	strace $0x90000046  }
0xb1: {  	s29 =	simm.s32 $0x9;
	_ =	strace $0x80000048  }
0xb2: {  	_ =	swait.ge [sflag:s29], $0x1  }
0xb3: {  	[sflag:s29] =	ssyncadd.s32 $0xFFFFFFFF  }
0xb4: {  	_ =	strace $0x90000048  }
0xb5: {  	_ =	sfence  }
0xb6: {  	s30 =	sld [smem:$0x0];
	_ =	sdelay $0x2  }
0xb7: {  	s31 =	sshll.u32 s1, $0xD;
	s1 =	sshrl.u32 s1, $0x2  }
0xb8: {  	s3 =	sand.u32 $0x4000, s31;
	s1 =	sadd.s32 s1, s30  }
0xb9: {  	s0 =	sor.u32 s3, s0;
	s1 =	sshll.u32 s1, $0x11  }
0xba: {  	s0 =	sor.u32 s1, s0  }
0xbb: {  	s0 =	sadd.s32 $0x8F2B, s0  }
0xbc: {  	[sflag:s0] =	ssyncadd.remote.s32 $0x1  }
0xbd: {  	_ =	sfence.sel $0xFFFF  }
0xbe: {  	[dreg:$0x0] =	wrdreg $0xFFFFFFFF;
	(pc) =	sbr.abs _section_cstart, $3  }
0xbf: {  	[dreg:$0x1] =	wrdreg $0xFFFFFFFF  }
0xc0: {  	_ =	task.clear_ibuf [dreg:s6], $0x2FFFF;
	_ =	strace $0x9FFFFFFF  }
0xc1: {  	(tm) =	ssettm $0x7FFFFFFF  }
tec
execute0_lowered:
.L_overlay_start_1:
0x0: {  	(tag) =	ssettag $0x1  }
0x1: {  	s3 =	rddreg [dreg:$0x0]  }
0x2: {  	s0 =	rddreg [dreg:$0x1]  }
0x3: {  	s2 =	simm.s32 $0x0;
	s4 =	srdreg.scid;
	s1 =	stileid.u32  }
0x4: {  	s15 =	simm.s32 $0x18000;
	s16 =	simm.s32 $0x0;
	[smem:$0x7FF] =	sst s2  }
0x5: {  	s4 =	sand.u32 $0x1, s4;
	s6 =	sshll.u32 s1, $0x3;
	s10 =	sadd.s32 $0x181200, s3  }
0x6: {  	s9 =	sadd.s32 $0x1200, s3;
	s24 =	sshll.u32 s1, $0xB;
	_ =	strace $0x80000047  }
0x7: {  	s5 =	ssub.s32 $0x2, s4;
	s7 =	sshll.u32 s4, $0x2;
	s4 =	sshll.u32 s4, $0x9  }
0x8: {  	s8 =	sshrl.u32 s5, $0x1;
	s6 =	sor.u32 s7, s6;
	s4 =	sor.u32 s4, s24  }
0x9: {  	s11 =	ssub.s32 s5, s8;
	s23 =	smul.u32 $0x3000, s6;
	s25 =	sor.u32 $0x1, s6  }
0xa: {  	s4 =	sshrl.u32 s4, $0x3;
	s29 =	sor.u32 $0x2, s6;
	s13 =	sor.u32 $0x3, s6  }
0xb: {  	s26 =	smul.u32 $0x3000, s25;
	s5 =	sshll.u32 s25, $0x7;
	s4 =	sadd.s32 s10, s4  }
0xc: {  	s30 =	sshll.u32 s29, $0x7;
	s14 =	sshll.u32 s13, $0x7;
	s13 =	smul.u32 $0x3000, s13  }
0xd: {  	s11 =	smax.u32 s11, $0x1;
	s3 =	sadd.s32 s9, s23;
	s12 =	sand.u32 $0x280, s5  }
0xe: {  	s14 =	sand.u32 $0x380, s14;
	s5 =	sadd.s32 s9, s26;
	s28 =	sor.u32 s24, s12  }
0xf: {  	s12 =	smul.u32 $0x3000, s29;
	s14 =	sor.u32 s24, s14;
	s8 =	sshrl.u32 s28, $0x3  }
0x10: {  	s31 =	sshrl.u32 s14, $0x3;
	s6 =	sadd.s32 s10, s8;
	s8 =	sand.u32 $0x300, s30  }
0x11: {  	s14 =	simm.s32 $0x400;
	s7 =	sadd.s32 s9, s12;
	s8 =	sor.u32 s24, s8  }
0x12: {  	s9 =	sadd.s32 s9, s13;
	s12 =	simm.s32 $0x1;
	s8 =	sshrl.u32 s8, $0x3  }
0x13: {  	vm0 =	vmmov $0xfff;
	s13 =	simm.s32 $0x80;
	s8 =	sadd.s32 s10, s8;
	s10 =	sadd.s32 s10, s31  }
.LBB2_1:
0x14: {  	v1 =	vimm.f32 $0.0e+00  }
0x15: {  	[tilespmem:$0x180D0] =	vst v1  }
0x16: {  	[tilespmem:$0x180E0] =	vst v1  }
0x17: {  	[tilespmem:$0x180F0] =	vst v1  }
0x18: {  	[tilespmem:s2], [sflag:$0x1] =	stream.linear.gather [hbm4b:s3+s2], $0x18000, $0x38;
	[tilespmem:$0x18100] =	vst v63  }
0x19: {  	_ =	swait.ge [sflag:s12], $0x18000  }
0x1a: {  	s17 =	sand.u32 $0x1F800, s2;
	s18 =	sand.u32 $0x380, s2;
	[sflag:s12] =	ssyncset.done $0x0  }
0x1b: {  	s17 =	sor.u32 s18, s17;
	[sflag:s12] =	ssyncadd.s32 $0xFFFE8000  }
0x1c: {  	v0 =	vld [tilespmem:s17+$0x434]  }
0x1d: {  	v2 =	vld [tilespmem:s17+$0x0]  }
0x1e: {  	v3 =	vld [tilespmem:s17+$0x10]  }
0x1f: {  	v4 =	vld [tilespmem:s17+$0x20]  }
0x20: {  	v8 =	vld [tilespmem:s17+$0x40]  }
0x21: {  	v9 =	vld [tilespmem:s17+$0x50]  }
0x22: {  	v5 =	vld [tilespmem:s17+$0x30]  }
0x23: {  	v11 =	vimm.f32 $0.0e+00;
	v0 =	vmul.f32 v0, v0  }
0x24: {  	v12 =	vimm.f32 $0.0e+00;
	v2 =	vmul.f32 v2, v2;
	v3 =	vmul.f32 v3, v3  }
0x25: {  	v10 =	vimm.f32 $0.0e+00;
	v17 =	vld [tilespmem:s17+$0x60];
	v4 =	vmul.f32 v4, v4;
	v18 =	vmul.f32 v8, v8  }
0x26: {  	v14 =	vld [tilespmem:s17+$0x70];
	v19 =	vmul.f32 v9, v9;
	v9 =	vimm.f32 $0.0e+00;
	v8 =	vimm.f32 $0.0e+00  }
0x27: {  	v16 =	vld [tilespmem:s17+$0x400];
	v0 =	vsel vm0, $0x0, v0;
	v6 =	vadd.f32 v2, v1;
	v2 =	vmul.f32 v5, v5  }
0x28: {  	s19 =	simm.s32 $0x100;
	s18 =	simm.s32 $0x80;
	v13 =	vld [tilespmem:s17+$0x410];
	v7 =	vadd.f32 v3, v1;
	v4 =	vadd.f32 v4, v1;
	v3 =	vimm.f32 $0.0e+00  }
0x29: {  	s20 =	sand.u32 $0x1F800, s19;
	s19 =	simm.s32 $0x200;
	s21 =	sand.u32 $0x380, s18;
	v15 =	vld [tilespmem:s17+$0x420];
	v0 =	vadd.f32 v0, v1;
	v5 =	vadd.f32 v2, v1;
	v2 =	vimm.f32 $0.0e+00  }
.LBB2_2:
0x2a: {  	p0 =	sne.s32 s19, $0x17F00;
	v1 =	vadd.f32 v18, v1;
	v17 =	vmul.f32 v17, v17;
	v18 =	vld [tilespmem:s17+$0x430];
	s17 =	sor.u32 s21, s20  }
0x2b: {  	v20 =	vld [tilespmem:s17+$0x434];
	v11 =	vadd.f32 v19, v11;
	v14 =	vmul.f32 v14, v14  }
0x2c: {  	v19 =	vld [tilespmem:s17+$0x0];
	v12 =	vadd.f32 v17, v12;
	v16 =	vmul.f32 v16, v16  }
0x2d: {  	v17 =	vld [tilespmem:s17+$0x10];
	v10 =	vadd.f32 v14, v10;
	v13 =	vmul.f32 v13, v13  }
0x2e: {  	v14 =	vld [tilespmem:s17+$0x20];
	v9 =	vadd.f32 v16, v9;
	v15 =	vmul.f32 v15, v15  }
0x2f: {  	v16 =	vld [tilespmem:s17+$0x30];
	v8 =	vadd.f32 v13, v8;
	v13 =	vmul.f32 v18, v18  }
0x30: {  	v18 =	vld [tilespmem:s17+$0x40];
	v20 =	vmul.f32 v20, v20;
	v3 =	vadd.f32 v15, v3  }
0x31: {  	v15 =	vmul.f32 v19, v19;
	v19 =	vld [tilespmem:s17+$0x50];
	v2 =	vadd.f32 v13, v2  }
.Ltmp0:
0x32: {  	v13 =	vmul.f32 v17, v17;
	v17 =	vld [tilespmem:s17+$0x60];
	v20 =	vsel vm0, $0x0, v20;
	(pc) =	sbr.rel @p0 .LBB2_2-.Ltmp0, $4  }
0x33: {  	v6 =	vadd.f32 v15, v6;
	v15 =	vmul.f32 v14, v14;
	v14 =	vld [tilespmem:s17+$0x70];
	v0 =	vadd.f32 v20, v0  }
0x34: {  	v7 =	vadd.f32 v13, v7;
	v20 =	vmul.f32 v16, v16;
	v16 =	vld [tilespmem:s17+$0x400]  }
0x35: {  	s18 =	sadd.s32 $0x80, s18;
	v4 =	vadd.f32 v15, v4;
	v18 =	vmul.f32 v18, v18;
	v13 =	vld [tilespmem:s17+$0x410]  }
0x36: {  	s20 =	sand.u32 $0x1F800, s19;
	s19 =	sadd.s32 $0x100, s19;
	s21 =	sand.u32 $0x380, s18;
	v5 =	vadd.f32 v20, v5;
	v19 =	vmul.f32 v19, v19;
	v15 =	vld [tilespmem:s17+$0x420]  }
0x37: {  	s18 =	sor.u32 s21, s20;
	v20 =	vld [tilespmem:s17+$0x430]  }
0x38: {  	v21 =	vld [tilespmem:s18+$0x434]  }
0x39: {  	v22 =	vld [tilespmem:s18+$0x0]  }
0x3a: {  	v23 =	vld [tilespmem:s18+$0x10]  }
0x3b: {  	v24 =	vld [tilespmem:s18+$0x20]  }
0x3c: {  	v25 =	vld [tilespmem:s18+$0x30]  }
0x3d: {  	v26 =	vld [tilespmem:s18+$0x40]  }
0x3e: {  	v27 =	vld [tilespmem:s18+$0x50]  }
0x3f: {  	v17 =	vmul.f32 v17, v17;
	v1 =	vadd.f32 v18, v1;
	v28 =	vld [tilespmem:s18+$0x60]  }
0x40: {  	v29 =	vld [tilespmem:s18+$0x70];
	v11 =	vadd.f32 v19, v11;
	v14 =	vmul.f32 v14, v14;
	v18 =	vmul.f32 v22, v22  }
0x41: {  	v19 =	vld [tilespmem:s18+$0x400];
	v12 =	vadd.f32 v17, v12;
	v16 =	vmul.f32 v16, v16;
	v17 =	vmul.f32 v23, v23  }
0x42: {  	v62 =	vld [tilespmem:s18+$0x410];
	v10 =	vadd.f32 v14, v10;
	v14 =	vmul.f32 v25, v25;
	v6 =	vadd.f32 v18, v6  }
0x43: {  	v63 =	vld [tilespmem:s18+$0x420];
	v18 =	vmul.f32 v24, v24;
	v7 =	vadd.f32 v17, v7  }
0x44: {  	v9 =	vadd.f32 v16, v9;
	v17 =	vld [tilespmem:s18+$0x430];
	v5 =	vadd.f32 v14, v5;
	[tilespmem:$0x18000] =	vst v6;
	v6 =	vmul.f32 v26, v26  }
0x45: {  	v4 =	vadd.f32 v18, v4;
	[tilespmem:$0x18010] =	vst v7;
	v7 =	vmul.f32 v13, v13;
	v13 =	vmul.f32 v27, v27  }
0x46: {  	[tilespmem:$0x18030] =	vst v5;
	v5 =	vmul.f32 v20, v20;
	v1 =	vadd.f32 v6, v1;
	v6 =	vmul.f32 v28, v28  }
0x47: {  	[tilespmem:$0x18020] =	vst v4;
	v7 =	vadd.f32 v7, v8;
	v8 =	vadd.f32 v13, v11;
	v11 =	vmul.f32 v29, v29  }
0x48: {  	v4 =	vmul.f32 v15, v15;
	v6 =	vadd.f32 v6, v12;
	v12 =	vmul.f32 v19, v19;
	[tilespmem:$0x18040] =	vst v1  }
0x49: {  	v1 =	vmul.f32 v21, v21;
	v10 =	vadd.f32 v11, v10;
	v11 =	vmul.f32 v62, v62;
	[tilespmem:$0x18050] =	vst v8  }
0x4a: {  	v3 =	vadd.f32 v4, v3;
	v8 =	vmul.f32 v63, v63;
	v4 =	vadd.f32 v12, v9;
	[tilespmem:$0x18060] =	vst v6  }
0x4b: {  	v2 =	vadd.f32 v5, v2;
	v5 =	vadd.f32 v11, v7;
	[tilespmem:$0x18070] =	vst v10  }
0x4c: {  	v6 =	vmul.f32 v17, v17;
	v3 =	vadd.f32 v8, v3;
	v1 =	vsel vm0, $0x0, v1;
	[tilespmem:$0x18080] =	vst v4  }
0x4d: {  	v0 =	vadd.f32 v1, v0;
	[tilespmem:$0x18090] =	vst v5  }
0x4e: {  	v2 =	vadd.f32 v6, v2;
	[tilespmem:$0x180A0] =	vst v3  }
0x4f: {  	[tilespmem:$0x180C0] =	vst v0  }
0x50: {  	[tilespmem:$0x180B0] =	vst v2  }
0x51: {  	[hbm4b:s4+s13] =	stream.strided.scatter [tilespmem:s15], [sflag:$0x1], $0x100, s14, s13, $0x38;
	[tilespmem:$0x18100] =	vst v63  }
0x52: {  	_ =	swait.ge [sflag:s12], $0x100  }
0x53: {  	[sflag:s12] =	ssyncset.done $0x0  }
0x54: {  	s30 =	simm.s32 $0x0;
	[sflag:s12] =	ssyncadd.s32 $0xFFFFFF00  }
0x55: {  	[tilespmem:s30], [sflag:$0x1] =	stream.linear.gather [hbm4b:s5+s30], $0x18000, $0x38;
	[tilespmem:$0x18100] =	vst v63  }
0x56: {  	_ =	swait.ge [sflag:s12], $0x18000  }
0x57: {  	s31 =	sand.u32 $0x1F800, s30;
	s17 =	sand.u32 $0x380, s30;
	[sflag:s12] =	ssyncset.done $0x0  }
0x58: {  	s17 =	sor.u32 s17, s31;
	[sflag:s12] =	ssyncadd.s32 $0xFFFE8000  }
0x59: {  	v0 =	vld [tilespmem:s17+$0x434]  }
0x5a: {  	v1 =	vld [tilespmem:s17+$0x0]  }
0x5b: {  	v2 =	vld [tilespmem:s17+$0x10]  }
0x5c: {  	v3 =	vld [tilespmem:s17+$0x20]  }
0x5d: {  	v7 =	vld [tilespmem:s17+$0x40]  }
0x5e: {  	v9 =	vld [tilespmem:s17+$0x50]  }
0x5f: {  	v4 =	vld [tilespmem:s17+$0x30]  }
0x60: {  	v8 =	vimm.f32 $0.0e+00;
	v11 =	vimm.f32 $0.0e+00;
	v0 =	vmul.f32 v0, v0  }
0x61: {  	v12 =	vimm.f32 $0.0e+00;
	v1 =	vmul.f32 v1, v1;
	v2 =	vmul.f32 v2, v2  }
0x62: {  	v10 =	vimm.f32 $0.0e+00;
	v17 =	vld [tilespmem:s17+$0x60];
	v3 =	vmul.f32 v3, v3;
	v18 =	vmul.f32 v7, v7  }
0x63: {  	v14 =	vld [tilespmem:s17+$0x70];
	v19 =	vmul.f32 v9, v9;
	v9 =	vimm.f32 $0.0e+00;
	v7 =	vimm.f32 $0.0e+00  }
0x64: {  	v16 =	vld [tilespmem:s17+$0x400];
	v0 =	vsel vm0, $0x0, v0;
	v5 =	vadd.f32 v1, v8;
	v1 =	vmul.f32 v4, v4  }
0x65: {  	s19 =	simm.s32 $0x100;
	s18 =	simm.s32 $0x80;
	v13 =	vld [tilespmem:s17+$0x410];
	v6 =	vadd.f32 v2, v8;
	v3 =	vadd.f32 v3, v8;
	v2 =	vimm.f32 $0.0e+00  }
0x66: {  	s20 =	sand.u32 $0x1F800, s19;
	s19 =	simm.s32 $0x200;
	s21 =	sand.u32 $0x380, s18;
	v15 =	vld [tilespmem:s17+$0x420];
	v0 =	vadd.f32 v0, v8;
	v4 =	vadd.f32 v1, v8;
	v1 =	vimm.f32 $0.0e+00  }
.LBB2_4:
0x67: {  	p0 =	sne.s32 s19, $0x17F00;
	v8 =	vadd.f32 v18, v8;
	v17 =	vmul.f32 v17, v17;
	v18 =	vld [tilespmem:s17+$0x430];
	s17 =	sor.u32 s21, s20  }
0x68: {  	v20 =	vld [tilespmem:s17+$0x434];
	v11 =	vadd.f32 v19, v11;
	v14 =	vmul.f32 v14, v14  }
0x69: {  	v19 =	vld [tilespmem:s17+$0x0];
	v12 =	vadd.f32 v17, v12;
	v16 =	vmul.f32 v16, v16  }
0x6a: {  	v17 =	vld [tilespmem:s17+$0x10];
	v10 =	vadd.f32 v14, v10;
	v13 =	vmul.f32 v13, v13  }
0x6b: {  	v14 =	vld [tilespmem:s17+$0x20];
	v9 =	vadd.f32 v16, v9;
	v15 =	vmul.f32 v15, v15  }
0x6c: {  	v16 =	vld [tilespmem:s17+$0x30];
	v7 =	vadd.f32 v13, v7;
	v13 =	vmul.f32 v18, v18  }
0x6d: {  	v18 =	vld [tilespmem:s17+$0x40];
	v20 =	vmul.f32 v20, v20;
	v2 =	vadd.f32 v15, v2  }
0x6e: {  	v15 =	vmul.f32 v19, v19;
	v19 =	vld [tilespmem:s17+$0x50];
	v1 =	vadd.f32 v13, v1  }
.Ltmp1:
0x6f: {  	v13 =	vmul.f32 v17, v17;
	v17 =	vld [tilespmem:s17+$0x60];
	v20 =	vsel vm0, $0x0, v20;
	(pc) =	sbr.rel @p0 .LBB2_4-.Ltmp1, $4  }
0x70: {  	v5 =	vadd.f32 v15, v5;
	v15 =	vmul.f32 v14, v14;
	v14 =	vld [tilespmem:s17+$0x70];
	v0 =	vadd.f32 v20, v0  }
0x71: {  	v6 =	vadd.f32 v13, v6;
	v20 =	vmul.f32 v16, v16;
	v16 =	vld [tilespmem:s17+$0x400]  }
0x72: {  	s18 =	sadd.s32 $0x80, s18;
	v3 =	vadd.f32 v15, v3;
	v18 =	vmul.f32 v18, v18;
	v13 =	vld [tilespmem:s17+$0x410]  }
0x73: {  	s20 =	sand.u32 $0x1F800, s19;
	s19 =	sadd.s32 $0x100, s19;
	s21 =	sand.u32 $0x380, s18;
	v4 =	vadd.f32 v20, v4;
	v19 =	vmul.f32 v19, v19;
	v15 =	vld [tilespmem:s17+$0x420]  }
0x74: {  	s18 =	sor.u32 s21, s20;
	v20 =	vld [tilespmem:s17+$0x430]  }
0x75: {  	v21 =	vld [tilespmem:s18+$0x434]  }
0x76: {  	v22 =	vld [tilespmem:s18+$0x0]  }
0x77: {  	v23 =	vld [tilespmem:s18+$0x10]  }
0x78: {  	v24 =	vld [tilespmem:s18+$0x20]  }
0x79: {  	v25 =	vld [tilespmem:s18+$0x30]  }
0x7a: {  	v26 =	vld [tilespmem:s18+$0x40]  }
0x7b: {  	v27 =	vld [tilespmem:s18+$0x50]  }
0x7c: {  	v17 =	vmul.f32 v17, v17;
	v8 =	vadd.f32 v18, v8;
	v28 =	vld [tilespmem:s18+$0x60]  }
0x7d: {  	v29 =	vld [tilespmem:s18+$0x70];
	v11 =	vadd.f32 v19, v11;
	v14 =	vmul.f32 v14, v14;
	v18 =	vmul.f32 v22, v22  }
0x7e: {  	v19 =	vld [tilespmem:s18+$0x400];
	v12 =	vadd.f32 v17, v12;
	v16 =	vmul.f32 v16, v16;
	v17 =	vmul.f32 v23, v23  }
0x7f: {  	v62 =	vld [tilespmem:s18+$0x410];
	v10 =	vadd.f32 v14, v10;
	v14 =	vmul.f32 v25, v25;
	v5 =	vadd.f32 v18, v5  }
0x80: {  	v63 =	vld [tilespmem:s18+$0x420];
	v18 =	vmul.f32 v24, v24;
	v6 =	vadd.f32 v17, v6  }
0x81: {  	v9 =	vadd.f32 v16, v9;
	v17 =	vld [tilespmem:s18+$0x430];
	v4 =	vadd.f32 v14, v4;
	[tilespmem:$0x18000] =	vst v5;
	v5 =	vmul.f32 v26, v26  }
0x82: {  	v3 =	vadd.f32 v18, v3;
	[tilespmem:$0x18010] =	vst v6;
	v6 =	vmul.f32 v13, v13;
	v13 =	vmul.f32 v27, v27  }
0x83: {  	[tilespmem:$0x18030] =	vst v4;
	v4 =	vmul.f32 v20, v20;
	v5 =	vadd.f32 v5, v8;
	v8 =	vmul.f32 v28, v28  }
0x84: {  	[tilespmem:$0x18020] =	vst v3;
	v6 =	vadd.f32 v6, v7;
	v7 =	vadd.f32 v13, v11;
	v11 =	vmul.f32 v29, v29  }
0x85: {  	v3 =	vmul.f32 v15, v15;
	v8 =	vadd.f32 v8, v12;
	v12 =	vmul.f32 v19, v19;
	[tilespmem:$0x18040] =	vst v5  }
0x86: {  	v1 =	vadd.f32 v4, v1;
	v10 =	vadd.f32 v11, v10;
	v11 =	vmul.f32 v62, v62;
	[tilespmem:$0x18050] =	vst v7  }
0x87: {  	v2 =	vadd.f32 v3, v2;
	v7 =	vmul.f32 v63, v63;
	v3 =	vadd.f32 v12, v9;
	[tilespmem:$0x18060] =	vst v8  }
0x88: {  	v5 =	vmul.f32 v21, v21;
	v4 =	vadd.f32 v11, v6;
	v6 =	vmul.f32 v17, v17;
	[tilespmem:$0x18070] =	vst v10  }
0x89: {  	v2 =	vadd.f32 v7, v2;
	[tilespmem:$0x18080] =	vst v3  }
0x8a: {  	v3 =	vsel vm0, $0x0, v5;
	v1 =	vadd.f32 v6, v1;
	[tilespmem:$0x18090] =	vst v4  }
0x8b: {  	[tilespmem:$0x180A0] =	vst v2;
	v0 =	vadd.f32 v3, v0  }
0x8c: {  	[tilespmem:$0x180B0] =	vst v1  }
0x8d: {  	[tilespmem:$0x180C0] =	vst v0  }
0x8e: {  	[hbm4b:s6+s13] =	stream.strided.scatter [tilespmem:s15], [sflag:$0x1], $0x100, s14, s13, $0x38;
	[tilespmem:$0x18100] =	vst v63  }
0x8f: {  	_ =	swait.ge [sflag:s12], $0x100  }
0x90: {  	[sflag:s12] =	ssyncset.done $0x0  }
0x91: {  	s30 =	simm.s32 $0x0;
	[sflag:s12] =	ssyncadd.s32 $0xFFFFFF00  }
0x92: {  	[tilespmem:s30], [sflag:$0x1] =	stream.linear.gather [hbm4b:s7+s30], $0x18000, $0x38;
	[tilespmem:$0x18100] =	vst v63  }
0x93: {  	_ =	swait.ge [sflag:s12], $0x18000  }
0x94: {  	s31 =	sand.u32 $0x1F800, s30;
	s17 =	sand.u32 $0x380, s30;
	[sflag:s12] =	ssyncset.done $0x0  }
0x95: {  	s17 =	sor.u32 s17, s31;
	[sflag:s12] =	ssyncadd.s32 $0xFFFE8000  }
0x96: {  	v0 =	vld [tilespmem:s17+$0x434]  }
0x97: {  	v1 =	vld [tilespmem:s17+$0x0]  }
0x98: {  	v2 =	vld [tilespmem:s17+$0x10]  }
0x99: {  	v3 =	vld [tilespmem:s17+$0x20]  }
0x9a: {  	v7 =	vld [tilespmem:s17+$0x40]  }
0x9b: {  	v9 =	vld [tilespmem:s17+$0x50]  }
0x9c: {  	v4 =	vld [tilespmem:s17+$0x30]  }
0x9d: {  	v8 =	vimm.f32 $0.0e+00;
	v11 =	vimm.f32 $0.0e+00;
	v0 =	vmul.f32 v0, v0  }
0x9e: {  	v12 =	vimm.f32 $0.0e+00;
	v1 =	vmul.f32 v1, v1;
	v2 =	vmul.f32 v2, v2  }
0x9f: {  	v10 =	vimm.f32 $0.0e+00;
	v17 =	vld [tilespmem:s17+$0x60];
	v3 =	vmul.f32 v3, v3;
	v18 =	vmul.f32 v7, v7  }
0xa0: {  	v14 =	vld [tilespmem:s17+$0x70];
	v19 =	vmul.f32 v9, v9;
	v9 =	vimm.f32 $0.0e+00;
	v7 =	vimm.f32 $0.0e+00  }
0xa1: {  	v16 =	vld [tilespmem:s17+$0x400];
	v0 =	vsel vm0, $0x0, v0;
	v5 =	vadd.f32 v1, v8;
	v1 =	vmul.f32 v4, v4  }
0xa2: {  	s19 =	simm.s32 $0x100;
	s18 =	simm.s32 $0x80;
	v13 =	vld [tilespmem:s17+$0x410];
	v6 =	vadd.f32 v2, v8;
	v3 =	vadd.f32 v3, v8;
	v2 =	vimm.f32 $0.0e+00  }
0xa3: {  	s20 =	sand.u32 $0x1F800, s19;
	s19 =	simm.s32 $0x200;
	s21 =	sand.u32 $0x380, s18;
	v15 =	vld [tilespmem:s17+$0x420];
	v0 =	vadd.f32 v0, v8;
	v4 =	vadd.f32 v1, v8;
	v1 =	vimm.f32 $0.0e+00  }
.LBB2_6:
0xa4: {  	p0 =	sne.s32 s19, $0x17F00;
	v8 =	vadd.f32 v18, v8;
	v17 =	vmul.f32 v17, v17;
	v18 =	vld [tilespmem:s17+$0x430];
	s17 =	sor.u32 s21, s20  }
0xa5: {  	v20 =	vld [tilespmem:s17+$0x434];
	v11 =	vadd.f32 v19, v11;
	v14 =	vmul.f32 v14, v14  }
0xa6: {  	v19 =	vld [tilespmem:s17+$0x0];
	v12 =	vadd.f32 v17, v12;
	v16 =	vmul.f32 v16, v16  }
0xa7: {  	v17 =	vld [tilespmem:s17+$0x10];
	v10 =	vadd.f32 v14, v10;
	v13 =	vmul.f32 v13, v13  }
0xa8: {  	v14 =	vld [tilespmem:s17+$0x20];
	v9 =	vadd.f32 v16, v9;
	v15 =	vmul.f32 v15, v15  }
0xa9: {  	v16 =	vld [tilespmem:s17+$0x30];
	v7 =	vadd.f32 v13, v7;
	v13 =	vmul.f32 v18, v18  }
0xaa: {  	v18 =	vld [tilespmem:s17+$0x40];
	v20 =	vmul.f32 v20, v20;
	v2 =	vadd.f32 v15, v2  }
0xab: {  	v15 =	vmul.f32 v19, v19;
	v19 =	vld [tilespmem:s17+$0x50];
	v1 =	vadd.f32 v13, v1  }
.Ltmp2:
0xac: {  	v13 =	vmul.f32 v17, v17;
	v17 =	vld [tilespmem:s17+$0x60];
	v20 =	vsel vm0, $0x0, v20;
	(pc) =	sbr.rel @p0 .LBB2_6-.Ltmp2, $4  }
0xad: {  	v5 =	vadd.f32 v15, v5;
	v15 =	vmul.f32 v14, v14;
	v14 =	vld [tilespmem:s17+$0x70];
	v0 =	vadd.f32 v20, v0  }
0xae: {  	v6 =	vadd.f32 v13, v6;
	v20 =	vmul.f32 v16, v16;
	v16 =	vld [tilespmem:s17+$0x400]  }
0xaf: {  	s18 =	sadd.s32 $0x80, s18;
	v3 =	vadd.f32 v15, v3;
	v18 =	vmul.f32 v18, v18;
	v13 =	vld [tilespmem:s17+$0x410]  }
0xb0: {  	s20 =	sand.u32 $0x1F800, s19;
	s19 =	sadd.s32 $0x100, s19;
	s21 =	sand.u32 $0x380, s18;
	v4 =	vadd.f32 v20, v4;
	v19 =	vmul.f32 v19, v19;
	v15 =	vld [tilespmem:s17+$0x420]  }
0xb1: {  	s18 =	sor.u32 s21, s20;
	v20 =	vld [tilespmem:s17+$0x430]  }
0xb2: {  	v21 =	vld [tilespmem:s18+$0x434]  }
0xb3: {  	v22 =	vld [tilespmem:s18+$0x0]  }
0xb4: {  	v23 =	vld [tilespmem:s18+$0x10]  }
0xb5: {  	v24 =	vld [tilespmem:s18+$0x20]  }
0xb6: {  	v25 =	vld [tilespmem:s18+$0x30]  }
0xb7: {  	v26 =	vld [tilespmem:s18+$0x40]  }
0xb8: {  	v27 =	vld [tilespmem:s18+$0x50]  }
0xb9: {  	v17 =	vmul.f32 v17, v17;
	v8 =	vadd.f32 v18, v8;
	v28 =	vld [tilespmem:s18+$0x60]  }
0xba: {  	v29 =	vld [tilespmem:s18+$0x70];
	v11 =	vadd.f32 v19, v11;
	v14 =	vmul.f32 v14, v14;
	v18 =	vmul.f32 v22, v22  }
0xbb: {  	v19 =	vld [tilespmem:s18+$0x400];
	v12 =	vadd.f32 v17, v12;
	v16 =	vmul.f32 v16, v16;
	v17 =	vmul.f32 v23, v23  }
0xbc: {  	v62 =	vld [tilespmem:s18+$0x410];
	v10 =	vadd.f32 v14, v10;
	v14 =	vmul.f32 v25, v25;
	v5 =	vadd.f32 v18, v5  }
0xbd: {  	v63 =	vld [tilespmem:s18+$0x420];
	v18 =	vmul.f32 v24, v24;
	v6 =	vadd.f32 v17, v6  }
0xbe: {  	v9 =	vadd.f32 v16, v9;
	v17 =	vld [tilespmem:s18+$0x430];
	v4 =	vadd.f32 v14, v4;
	[tilespmem:$0x18000] =	vst v5;
	v5 =	vmul.f32 v26, v26  }
0xbf: {  	v3 =	vadd.f32 v18, v3;
	[tilespmem:$0x18010] =	vst v6;
	v6 =	vmul.f32 v13, v13;
	v13 =	vmul.f32 v27, v27  }
0xc0: {  	[tilespmem:$0x18030] =	vst v4;
	v4 =	vmul.f32 v20, v20;
	v5 =	vadd.f32 v5, v8;
	v8 =	vmul.f32 v28, v28  }
0xc1: {  	[tilespmem:$0x18020] =	vst v3;
	v6 =	vadd.f32 v6, v7;
	v7 =	vadd.f32 v13, v11;
	v11 =	vmul.f32 v29, v29  }
0xc2: {  	v3 =	vmul.f32 v15, v15;
	v8 =	vadd.f32 v8, v12;
	v12 =	vmul.f32 v19, v19;
	[tilespmem:$0x18040] =	vst v5  }
0xc3: {  	v1 =	vadd.f32 v4, v1;
	v10 =	vadd.f32 v11, v10;
	v11 =	vmul.f32 v62, v62;
	[tilespmem:$0x18050] =	vst v7  }
0xc4: {  	v2 =	vadd.f32 v3, v2;
	v7 =	vmul.f32 v63, v63;
	v3 =	vadd.f32 v12, v9;
	[tilespmem:$0x18060] =	vst v8  }
0xc5: {  	v5 =	vmul.f32 v21, v21;
	v4 =	vadd.f32 v11, v6;
	v6 =	vmul.f32 v17, v17;
	[tilespmem:$0x18070] =	vst v10  }
0xc6: {  	v2 =	vadd.f32 v7, v2;
	[tilespmem:$0x18080] =	vst v3  }
0xc7: {  	v3 =	vsel vm0, $0x0, v5;
	v1 =	vadd.f32 v6, v1;
	[tilespmem:$0x18090] =	vst v4  }
0xc8: {  	[tilespmem:$0x180A0] =	vst v2;
	v0 =	vadd.f32 v3, v0  }
0xc9: {  	[tilespmem:$0x180B0] =	vst v1  }
0xca: {  	[tilespmem:$0x180C0] =	vst v0  }
0xcb: {  	[hbm4b:s8+s13] =	stream.strided.scatter [tilespmem:s15], [sflag:$0x1], $0x100, s14, s13, $0x38;
	[tilespmem:$0x18100] =	vst v63  }
0xcc: {  	_ =	swait.ge [sflag:s12], $0x100  }
0xcd: {  	[sflag:s12] =	ssyncset.done $0x0  }
0xce: {  	s30 =	simm.s32 $0x0;
	[sflag:s12] =	ssyncadd.s32 $0xFFFFFF00  }
0xcf: {  	[tilespmem:s30], [sflag:$0x1] =	stream.linear.gather [hbm4b:s9+s30], $0x18000, $0x38;
	[tilespmem:$0x18100] =	vst v63  }
0xd0: {  	_ =	swait.ge [sflag:s12], $0x18000  }
0xd1: {  	s31 =	sand.u32 $0x1F800, s30;
	s17 =	sand.u32 $0x380, s30;
	[sflag:s12] =	ssyncset.done $0x0  }
0xd2: {  	s17 =	sor.u32 s17, s31;
	[sflag:s12] =	ssyncadd.s32 $0xFFFE8000  }
0xd3: {  	v0 =	vld [tilespmem:s17+$0x434]  }
0xd4: {  	v1 =	vld [tilespmem:s17+$0x0]  }
0xd5: {  	v2 =	vld [tilespmem:s17+$0x10]  }
0xd6: {  	v3 =	vld [tilespmem:s17+$0x20]  }
0xd7: {  	v7 =	vld [tilespmem:s17+$0x40]  }
0xd8: {  	v9 =	vld [tilespmem:s17+$0x50]  }
0xd9: {  	v4 =	vld [tilespmem:s17+$0x30]  }
0xda: {  	v8 =	vimm.f32 $0.0e+00;
	v11 =	vimm.f32 $0.0e+00;
	v0 =	vmul.f32 v0, v0  }
0xdb: {  	v12 =	vimm.f32 $0.0e+00;
	v1 =	vmul.f32 v1, v1;
	v2 =	vmul.f32 v2, v2  }
0xdc: {  	v10 =	vimm.f32 $0.0e+00;
	v17 =	vld [tilespmem:s17+$0x60];
	v3 =	vmul.f32 v3, v3;
	v18 =	vmul.f32 v7, v7  }
0xdd: {  	v14 =	vld [tilespmem:s17+$0x70];
	v19 =	vmul.f32 v9, v9;
	v9 =	vimm.f32 $0.0e+00;
	v7 =	vimm.f32 $0.0e+00  }
0xde: {  	v16 =	vld [tilespmem:s17+$0x400];
	v0 =	vsel vm0, $0x0, v0;
	v5 =	vadd.f32 v1, v8;
	v1 =	vmul.f32 v4, v4  }
0xdf: {  	s19 =	simm.s32 $0x100;
	s18 =	simm.s32 $0x80;
	v13 =	vld [tilespmem:s17+$0x410];
	v6 =	vadd.f32 v2, v8;
	v3 =	vadd.f32 v3, v8;
	v2 =	vimm.f32 $0.0e+00  }
0xe0: {  	s20 =	sand.u32 $0x1F800, s19;
	s19 =	simm.s32 $0x200;
	s21 =	sand.u32 $0x380, s18;
	v15 =	vld [tilespmem:s17+$0x420];
	v0 =	vadd.f32 v0, v8;
	v4 =	vadd.f32 v1, v8;
	v1 =	vimm.f32 $0.0e+00  }
.LBB2_8:
0xe1: {  	p0 =	sne.s32 s19, $0x17F00;
	v8 =	vadd.f32 v18, v8;
	v17 =	vmul.f32 v17, v17;
	v18 =	vld [tilespmem:s17+$0x430];
	s17 =	sor.u32 s21, s20  }
0xe2: {  	v20 =	vld [tilespmem:s17+$0x434];
	v11 =	vadd.f32 v19, v11;
	v14 =	vmul.f32 v14, v14  }
0xe3: {  	v19 =	vld [tilespmem:s17+$0x0];
	v12 =	vadd.f32 v17, v12;
	v16 =	vmul.f32 v16, v16  }
0xe4: {  	v17 =	vld [tilespmem:s17+$0x10];
	v10 =	vadd.f32 v14, v10;
	v13 =	vmul.f32 v13, v13  }
0xe5: {  	v14 =	vld [tilespmem:s17+$0x20];
	v9 =	vadd.f32 v16, v9;
	v15 =	vmul.f32 v15, v15  }
0xe6: {  	v16 =	vld [tilespmem:s17+$0x30];
	v7 =	vadd.f32 v13, v7;
	v13 =	vmul.f32 v18, v18  }
0xe7: {  	v18 =	vld [tilespmem:s17+$0x40];
	v20 =	vmul.f32 v20, v20;
	v2 =	vadd.f32 v15, v2  }
0xe8: {  	v15 =	vmul.f32 v19, v19;
	v19 =	vld [tilespmem:s17+$0x50];
	v1 =	vadd.f32 v13, v1  }
.Ltmp3:
0xe9: {  	v13 =	vmul.f32 v17, v17;
	v17 =	vld [tilespmem:s17+$0x60];
	v20 =	vsel vm0, $0x0, v20;
	(pc) =	sbr.rel @p0 .LBB2_8-.Ltmp3, $4  }
0xea: {  	v5 =	vadd.f32 v15, v5;
	v15 =	vmul.f32 v14, v14;
	v14 =	vld [tilespmem:s17+$0x70];
	v0 =	vadd.f32 v20, v0  }
0xeb: {  	v6 =	vadd.f32 v13, v6;
	v20 =	vmul.f32 v16, v16;
	v16 =	vld [tilespmem:s17+$0x400]  }
0xec: {  	s18 =	sadd.s32 $0x80, s18;
	v3 =	vadd.f32 v15, v3;
	v18 =	vmul.f32 v18, v18;
	v13 =	vld [tilespmem:s17+$0x410]  }
0xed: {  	s20 =	sand.u32 $0x1F800, s19;
	s19 =	sadd.s32 $0x100, s19;
	s21 =	sand.u32 $0x380, s18;
	v4 =	vadd.f32 v20, v4;
	v19 =	vmul.f32 v19, v19;
	v15 =	vld [tilespmem:s17+$0x420]  }
0xee: {  	s18 =	sor.u32 s21, s20;
	v20 =	vld [tilespmem:s17+$0x430]  }
0xef: {  	v21 =	vld [tilespmem:s18+$0x434]  }
0xf0: {  	v22 =	vld [tilespmem:s18+$0x0]  }
0xf1: {  	v23 =	vld [tilespmem:s18+$0x10]  }
0xf2: {  	v24 =	vld [tilespmem:s18+$0x20]  }
0xf3: {  	v25 =	vld [tilespmem:s18+$0x30]  }
0xf4: {  	v26 =	vld [tilespmem:s18+$0x40]  }
0xf5: {  	v27 =	vld [tilespmem:s18+$0x50]  }
0xf6: {  	v17 =	vmul.f32 v17, v17;
	v28 =	vld [tilespmem:s18+$0x60]  }
0xf7: {  	v29 =	vld [tilespmem:s18+$0x70];
	v14 =	vmul.f32 v14, v14;
	v40 =	vmul.f32 v22, v22  }
0xf8: {  	v11 =	vadd.f32 v19, v11;
	v41 =	vld [tilespmem:s18+$0x400];
	v16 =	vmul.f32 v16, v16;
	v42 =	vmul.f32 v23, v23  }
0xf9: {  	v45 =	vld [tilespmem:s18+$0x420];
	v10 =	vadd.f32 v14, v10;
	v44 =	vmul.f32 v24, v24;
	v5 =	vadd.f32 v40, v5  }
0xfa: {  	v47 =	vld [tilespmem:s18+$0x430];
	v9 =	vadd.f32 v16, v9;
	v46 =	vmul.f32 v25, v25;
	v6 =	vadd.f32 v42, v6  }
0xfb: {  	v43 =	vld [tilespmem:s18+$0x410];
	v51 =	vmul.f32 v15, v15;
	v50 =	vmul.f32 v27, v27;
	v3 =	vadd.f32 v44, v3;
	[tilespmem:$0x18000] =	vst v5  }
0xfc: {  	v55 =	vmul.f32 v20, v20;
	v54 =	vmul.f32 v29, v29;
	v4 =	vadd.f32 v46, v4;
	[tilespmem:$0x18010] =	vst v6  }
0xfd: {  	v56 =	vmul.f32 v41, v41;
	v57 =	vmul.f32 v21, v21;
	v53 =	vadd.f32 v50, v11;
	[tilespmem:$0x18020] =	vst v3  }
0xfe: {  	v2 =	vadd.f32 v51, v2;
	v60 =	vmul.f32 v45, v45;
	v10 =	vadd.f32 v54, v10;
	[tilespmem:$0x18030] =	vst v4  }
0xff: {  	v62 =	vmul.f32 v47, v47;
	v1 =	vadd.f32 v55, v1;
	v59 =	vadd.f32 v56, v9;
	[tilespmem:$0x18050] =	vst v53  }
0x100: {  	v8 =	vadd.f32 v18, v8;
	v49 =	vmul.f32 v13, v13;
	v2 =	vadd.f32 v60, v2;
	[tilespmem:$0x18070] =	vst v10  }
0x101: {  	v48 =	vmul.f32 v26, v26;
	v63 =	vsel vm0, $0x0, v57;
	v1 =	vadd.f32 v62, v1;
	[tilespmem:$0x18080] =	vst v59  }
0x102: {  	v12 =	vadd.f32 v17, v12;
	v52 =	vmul.f32 v28, v28;
	v0 =	vadd.f32 v63, v0;
	[tilespmem:$0x180A0] =	vst v2  }
0x103: {  	v58 =	vmul.f32 v43, v43;
	v5 =	vadd.f32 v48, v8;
	v6 =	vadd.f32 v49, v7;
	[tilespmem:$0x180B0] =	vst v1  }
0x104: {  	v8 =	vadd.f32 v52, v12;
	[tilespmem:$0x180C0] =	vst v0  }
0x105: {  	s16 =	sadd.s32 $0x1, s16;
	[tilespmem:$0x18040] =	vst v5;
	v61 =	vadd.f32 v58, v6  }
0x106: {  	p0 =	sne.s32 s16, s11;
	[tilespmem:$0x18060] =	vst v8  }
.Ltmp4:
0x107: {  	[tilespmem:$0x18090] =	vst v61;
	(pc) =	sbr.rel @p0 .LBB2_1-.Ltmp4, $4  }
0x108: {  	[hbm4b:s10+s13] =	stream.strided.scatter [tilespmem:s15], [sflag:$0x1], $0x100, s14, s13, $0x38;
	[tilespmem:$0x18100] =	vst v63  }
0x109: {  	_ =	swait.ge [sflag:s12], $0x100  }
0x10a: {  	[sflag:s12] =	ssyncset.done $0x0  }
0x10b: {  	[sflag:s12] =	ssyncadd.s32 $0xFFFFFF00  }
0x10c: {  	_ =	sfence.sel $0x180000  }
0x10d: {  	[bflag:$0x0] =	sbarrier.arrive $0xFFFF  }
0x10e: {  	p0 =	sne.s32 s1, $0x0;
	_ =	strace $0x90000047  }
0x10f: {  	s0 =	sadd.s32 @!p0 $0x100000, s0;
	[bflag:$0x2] =	sbarrier.arrive $0xFFFF  }
0x110: {  	[sflag:s0] =	ssyncadd.tile.s32 @!p0 $0x1;
	_ =	shalt  }
.Lfunc_end2:
_tile_overlayer_lowered:
.L_overlay_start_2:
0x111: {  	(tag) =	ssettag $0x2  }
0x112: {  	s0 =	rddreg [dreg:$0x0];
	s2 =	stileid.u32  }
0x113: {  	s1 =	rddreg [dreg:$0x1];
	p0 =	sne.s32 s2, $0x0  }
0x114: {  	s3 =	rddreg [dreg:$0x2];
	[bflag:$0x3] =	sbarrier.arrive $0xFFFF;
	s2 =	simm.s32 @!p0 $0x1C01  }
0x115: {  	[timem:s3], [sflag:s2] =	dma.local @!p0 [hbm:s0], s1  }
0x116: {  	s0 =	simm.s32 @!p0 $0x1  }
0x117: {  	_ =	swait.ge @!p0 [sflag:s0], s1  }
0x118: {  	s1 =	ssub.s32 @!p0 $0x0, s1;
	[sflag:s0] =	ssyncset.done @!p0 $0x0  }
0x119: {  	[sflag:s0] =	ssyncadd.s32 @!p0 s1  }
0x11a: {  	[bflag:$0x3] =	sbarrier.arrive $0xFFFF  }
0x11b: {  	_ =	shalt  }

</sc_bundles>
